<compile_context>
chip_gen: v7x
topology: tpu7x:2x2x1
jax: 0.10.2.dev20260603
libtpu: 0.0.44.dev20260713+nightly
codegen_flags: <defaults>
</compile_context>

<pallas_src>
import jax
import jax.numpy as jnp
from jax import lax
from jax.experimental import pallas as pl
from jax.experimental.pallas import tpu as pltpu
from jax.experimental.pallas import tpu_sc as plsc

B, T, C, P, R = 16384, 32, 8, 3, 9
NC, NS, L = 2, 16, 16
NW = NC * NS
ROWS = B // NW
GROUPS = ROWS // L
TR = T // 8
TB = B // 128
WTB = ROWS // 128
PAR_RE = 32


_LOG1P = (9.999987639e-01, -4.998719253e-01, 3.311205837e-01,
          -2.351488241e-01, 1.494348365e-01, -6.658820573e-02,
          1.420285926e-02)


def _softplus(x):
  t = jnp.exp(-jnp.abs(x))
  q = _LOG1P[6]
  for cc in _LOG1P[5::-1]:
    q = q * t + cc
  return jnp.maximum(x, 0.0) + t * q


def _body(ns_hbm, ch_hbm, rl_hbm, par_hbm, out_hbm,
          ns_v, ch_v, rl_v, par_v, chain_v, mlen_v, sem_ns, sem_ch, sem_rl):
  cid = lax.axis_index("c")
  sid = lax.axis_index("s")
  wid = sid * NC + cid
  tb0 = wid * WTB

  lane = lax.broadcasted_iota(jnp.int32, (L,), 0)

  cp_ns = pltpu.async_copy(ns_hbm.at[:, :, pl.ds(tb0, WTB)], ns_v, sem_ns)
  cp_ch = pltpu.async_copy(ch_hbm.at[:, pl.ds(tb0, WTB), C - 1], ch_v, sem_ch)
  cp_rl = pltpu.async_copy(rl_hbm.at[:, pl.ds(tb0, WTB), C - 1], rl_v, sem_rl)
  pltpu.sync_copy(par_hbm, par_v)
  cp_ch.wait()

  wv = par_v[pl.ds(0, L)]
  vv = par_v[pl.ds(L, L)]
  w = [[wv[q * P + p] for p in range(P)] for q in range(P)]
  v = [[vv[q * P + p] for p in range(P)] for q in range(P)]

  @plsc.parallel_loop(0, GROUPS)
  def _walk(g):
    tcl = g >> 3
    l0 = (g & 7) * L
    tcl_v = jnp.full((L,), 0, jnp.int32) + tcl
    lane_v = l0 + lane
    g_v = jnp.full((L,), 0, jnp.int32) + g

    def cond(carry):
      _, _, _, act = carry
      return jnp.any(act)

    def body(carry):
      pos, mlen, k, act = carry
      plsc.store_scatter(chain_v, [g_v, jnp.full((L,), 0, jnp.int32) + k,
                                   lane], pos, mask=act)
      c = plsc.load_gather(ch_v, [pos, tcl_v, lane_v])
      act2 = jnp.logical_and(act, c < pos)
      pos2 = jnp.where(act2, c, pos)
      return pos2, mlen + act2.astype(jnp.int32), k + 1, act2

    _, mlen, _, _ = lax.while_loop(
        cond, body,
        (jnp.full((L,), T - 1, jnp.int32), jnp.full((L,), 1, jnp.int32),
         jnp.int32(0), lane < L))
    mlen_v[g, :] = mlen

  def max_step(gg, acc):
    return jnp.maximum(acc, mlen_v[gg, :])

  mmax = jnp.max(lax.fori_loop(0, GROUPS, max_step,
                               jnp.full((L,), 1, jnp.int32)))
  cp_ns.wait()
  cp_rl.wait()

  def eval_kk(kk, carry):
    k = mmax - 1 - kk

    @plsc.parallel_loop(0, GROUPS, unroll=4)
    def _group(g):
      tcl = g >> 3
      l0 = (g & 7) * L
      tcl_v = jnp.full((L,), 0, jnp.int32) + tcl
      lane_v = l0 + lane
      valid = k < mlen_v[g, pl.ds(0, L)]
      pos = chain_v[g, k, pl.ds(0, L)]
      pos = jnp.minimum(jnp.maximum(pos, 0), T - 1)
      ptr = lax.shift_right_logical(pos, 3)
      pr = jnp.bitwise_and(pos, 7)
      c = plsc.load_gather(ch_v, [pos, tcl_v, lane_v])
      r = plsc.load_gather(rl_v, [pos, tcl_v, lane_v])
      ctr = lax.shift_right_logical(c, 3)
      cr = jnp.bitwise_and(c, 7)
      prnt = [plsc.load_gather(
          ns_v, [jnp.full((L,), p, jnp.int32), ptr, tcl_v, pr, lane_v])
              for p in range(P)]
      cs = [plsc.load_gather(
          ns_v, [jnp.full((L,), p, jnp.int32), ctr, tcl_v, cr, lane_v])
            for p in range(P)]
      re = [plsc.load_gather(par_v, [r * P + (PAR_RE + p)]) for p in range(P)]
      a = []
      for p in range(P):
        x = re[p]
        for q in range(P):
          x = x + w[q][p] * prnt[q]
          x = x + v[q][p] * cs[q]
        a.append(_softplus(x) + 1e-6)
      inv = 1.0 / (a[0] + a[1] + a[2])
      for p in range(P):
        plsc.store_scatter(
            ns_v, [jnp.full((L,), p, jnp.int32), ptr, tcl_v, pr, lane_v],
            a[p] * inv, mask=valid)

    return carry

  lax.fori_loop(0, mmax, eval_kk, 0)

  pltpu.sync_copy(ns_v.at[:, TR - 1, :, 7, :],
                  out_hbm.at[:, pl.ds(tb0, WTB)])


@jax.jit
def _run(ns5, ch4, rl4, params):
  mesh = plsc.VectorSubcoreMesh(core_axis_name="c", subcore_axis_name="s")
  f = pl.kernel(
      _body,
      out_type=jax.ShapeDtypeStruct((P, TB, 128), jnp.float32),
      mesh=mesh,
      scratch_types=[
          pltpu.VMEM((P, TR, WTB, 8, 128), jnp.float32),
          pltpu.VMEM((T, WTB, 128), jnp.int32),
          pltpu.VMEM((T, WTB, 128), jnp.int32),
          pltpu.VMEM((64,), jnp.float32),
          pltpu.VMEM((GROUPS, T, L), jnp.int32),
          pltpu.VMEM((GROUPS, L), jnp.int32),
          pltpu.SemaphoreType.DMA,
          pltpu.SemaphoreType.DMA,
          pltpu.SemaphoreType.DMA,
      ],
      compiler_params=pltpu.CompilerParams(
          needs_layout_passes=False, use_tc_tiling_on_sc=False),
  )
  return f(ns5, ch4, rl4, params)


def kernel(node_scores, children, rels, labels, W, V, rel_emb):
  del labels
  ns5 = (node_scores.transpose(2, 1, 0)
         .reshape(P, TR, 8, TB, 128)
         .transpose(0, 1, 3, 2, 4))
  ch4 = (children.astype(jnp.int32).transpose(1, 2, 0)
         .reshape(T, C, TB, 128)
         .transpose(0, 2, 1, 3))
  rl4 = (rels.astype(jnp.int32).transpose(1, 2, 0)
         .reshape(T, C, TB, 128)
         .transpose(0, 2, 1, 3))
  params = (jnp.zeros((64,), jnp.float32)
            .at[0:P * P].set(W.reshape(-1))
            .at[L:L + P * P].set(V.reshape(-1))
            .at[PAR_RE:PAR_RE + R * P].set(rel_emb.reshape(-1)))
  out = _run(ns5, ch4, rl4, params)
  return out.reshape(P, B).transpose(1, 0)

# --- scband reference (transcript-rebuilt; emitter-appended) ---
"""Pipeline reference for scband-var-inf-model-10952166604946 (READ-ONLY COPY).

The authoritative reference and input builder live on the scoring server;
editing this copy changes nothing except your own understanding.
"""

import jax, jax.numpy as jnp
import numpy as np

B, T, C, P, R = 16384, 32, 8, 3, 9


def setup_inputs(seed: int = 0) -> dict:
    key = jax.random.key(seed)
    ks = jax.random.split(key, 7)
    node_scores = jax.random.uniform(ks[0], (B, T, P), dtype=jnp.float32) + 0.1
    node_scores = node_scores / node_scores.sum(-1, keepdims=True)
    children = jax.random.randint(ks[1], (B, T, C), 0, T)
    rels = jax.random.randint(ks[2], (B, T, C), 0, R)
    labels = jax.random.randint(ks[3], (B,), 0, P)
    W = jax.random.normal(ks[4], (P, P), dtype=jnp.float32) * 0.1
    V = jax.random.normal(ks[5], (P, P), dtype=jnp.float32) * 0.1
    rel_emb = jax.random.normal(ks[6], (R, P), dtype=jnp.float32) * 0.1
    return {"node_scores": node_scores, "children": children, "rels": rels,
            "labels": labels, "W": W, "V": V, "rel_emb": rel_emb}


def reference(node_scores, children, rels, labels, W, V, rel_emb):
    # Deterministic analog of VarInfModel.guide: iterate over tree positions i,
    # gather child node scores via `children` indices (_get_child_scores),
    # compute a Dirichlet concentration alpha from parent scores, child scores
    # and the relation embedding (AlphaModel), and scatter-overwrite the
    # posterior mean (alpha / alpha.sum()) back into node_scores[:, i].
    # Returns node_scores[:, -1] as in guide().
    ns = node_scores
    for i in range(T):
        prnt = ns[:, i]  # [B, P], fixed over the child loop as in the original
        idx = jnp.broadcast_to(children[:, i][:, :, None], (B, C, P))
        child_scores = jnp.take_along_axis(ns, idx, axis=1)  # gather [B, C, P]
        for j in range(C):
            cs = child_scores[:, j]                      # [B, P]
            re = rel_emb[rels[:, i, j]]                  # embedding gather [B, P]
            a = jax.nn.softplus(prnt @ W + cs @ V + re) + 1e-6
            alpha_mean = a / a.sum(-1, keepdims=True)    # Dirichlet posterior mean
            ns = ns.at[:, i].set(alpha_mean)             # scatter-overwrite
    return ns[:, -1]

if __name__ == "__main__":
    import jax
    _d = setup_inputs()
    print(jax.jit(kernel)(*tuple(_d.values())))

</pallas_src>

<mosaic_0001>
#map = affine_map<(d0, d1) -> (0, 0, 0, 0, 0)>
#map1 = affine_map<(d0, d1) -> (0, 0, 0, 0)>
#map2 = affine_map<(d0, d1) -> (0)>
#map3 = affine_map<(d0, d1) -> (0, 0, 0)>
module attributes {stable_mosaic.version = 14 : i64} {
  func.func @_body(%arg0: i32, %arg1: i32, %arg2: memref<3x4x128x8x128xf32, #tpu.memory_space<hbm>>, %arg3: memref<32x128x8x128xi32, #tpu.memory_space<hbm>>, %arg4: memref<32x128x8x128xi32, #tpu.memory_space<hbm>>, %arg5: memref<64xf32, #tpu.memory_space<hbm>>, %arg6: memref<3x128x128xf32, #tpu.memory_space<hbm>>, %arg7: memref<3x4x4x8x128xf32, #tpu.memory_space<vmem>>, %arg8: memref<32x4x128xi32, #tpu.memory_space<vmem>>, %arg9: memref<32x4x128xi32, #tpu.memory_space<vmem>>, %arg10: memref<64xf32, #tpu.memory_space<vmem>>, %arg11: memref<32x32x16xi32, #tpu.memory_space<vmem>>, %arg12: memref<32x16xi32, #tpu.memory_space<vmem>>, %arg13: memref<!tpu.dma_semaphore, #tpu.memory_space<semaphore_mem>>, %arg14: memref<!tpu.dma_semaphore, #tpu.memory_space<semaphore_mem>>, %arg15: memref<!tpu.dma_semaphore, #tpu.memory_space<semaphore_mem>>) attributes {dimension_semantics = [#tpu.dimension_semantics<core_parallel>, #tpu.dimension_semantics<subcore_parallel>], iteration_bounds = array<i64: 2, 16>, scalar_prefetch = 0 : i64, scratch_operands = 9 : i64, tpu.core_type = #tpu.core_type<sc_vector_subcore>, window_params = [{transform_indices = #map}, {transform_indices = #map1}, {transform_indices = #map1}, {transform_indices = #map2}, {transform_indices = #map3}]} {
    %mul3A = arith.constant 2 : i32
    %mul3A_0 = arith.muli %arg1, %mul3A : i32
    %add3A = arith.addi %mul3A_0, %arg0 : i32
    %mul3A_1 = arith.constant 4 : i32
    %mul3A_2 = arith.muli %add3A, %mul3A_1 : i32
    %iota3A = tpu.iota {dimensions = array<i32: 0>} : vector<16xi32>
    %dma_start3A = arith.constant 0 : i32
    %dma_start3A_3 = arith.constant 0 : i32
    %dma_start3A_4 = arith.constant 0 : i32
    %dma_start3A_5 = arith.constant 0 : i32
    %dma_start3A_6 = tpu.memref_slice %arg2[%dma_start3A, %dma_start3A_3, %mul3A_2, %dma_start3A_4, %dma_start3A_5] : memref<3x4x128x8x128xf32, #tpu.memory_space<hbm>> -> memref<3x4x4x8x128xf32, #tpu.memory_space<hbm>>
    %dma_start3A_7 = arith.constant 0 : i32
    %dma_start3A_8 = arith.constant 0 : i32
    %dma_start3A_9 = arith.constant 0 : i32
    %dma_start3A_10 = arith.constant 0 : i32
    %dma_start3A_11 = tpu.memref_slice %arg2[%dma_start3A_7, %dma_start3A_8, %mul3A_2, %dma_start3A_9, %dma_start3A_10] : memref<3x4x128x8x128xf32, #tpu.memory_space<hbm>> -> memref<3x4x4x8x128xf32, #tpu.memory_space<hbm>>
    tpu.enqueue_dma source(%dma_start3A_11 : memref<3x4x4x8x128xf32, #tpu.memory_space<hbm>>) target(%arg7 : memref<3x4x4x8x128xf32, #tpu.memory_space<vmem>>) target_semaphore(%arg13 : memref<!tpu.dma_semaphore, #tpu.memory_space<semaphore_mem>>)
    %dma_start3A_12 = arith.constant 7 : i32
    %dma_start3A_13 = arith.constant 0 : i32
    %dma_start3A_14 = arith.constant 0 : i32
    %dma_start3A_15 = tpu.memref_slice %arg3[%dma_start3A_13, %mul3A_2, %dma_start3A_12, %dma_start3A_14] : memref<32x128x8x128xi32, #tpu.memory_space<hbm>> -> memref<32x4x1x128xi32, #tpu.memory_space<hbm>>
    %dma_start3A_16 = tpu.memref_squeeze %dma_start3A_15 : memref<32x4x1x128xi32, #tpu.memory_space<hbm>> -> memref<32x4x128xi32, #tpu.memory_space<hbm>>
    %dma_start3A_17 = arith.constant 0 : i32
    %dma_start3A_18 = arith.constant 0 : i32
    %dma_start3A_19 = tpu.memref_slice %arg3[%dma_start3A_17, %mul3A_2, %dma_start3A_12, %dma_start3A_18] : memref<32x128x8x128xi32, #tpu.memory_space<hbm>> -> memref<32x4x1x128xi32, #tpu.memory_space<hbm>>
    %dma_start3A_20 = tpu.memref_squeeze %dma_start3A_19 : memref<32x4x1x128xi32, #tpu.memory_space<hbm>> -> memref<32x4x128xi32, #tpu.memory_space<hbm>>
    tpu.enqueue_dma source(%dma_start3A_20 : memref<32x4x128xi32, #tpu.memory_space<hbm>>) target(%arg8 : memref<32x4x128xi32, #tpu.memory_space<vmem>>) target_semaphore(%arg14 : memref<!tpu.dma_semaphore, #tpu.memory_space<semaphore_mem>>)
    %dma_start3A_21 = arith.constant 7 : i32
    %dma_start3A_22 = arith.constant 0 : i32
    %dma_start3A_23 = arith.constant 0 : i32
    %dma_start3A_24 = tpu.memref_slice %arg4[%dma_start3A_22, %mul3A_2, %dma_start3A_21, %dma_start3A_23] : memref<32x128x8x128xi32, #tpu.memory_space<hbm>> -> memref<32x4x1x128xi32, #tpu.memory_space<hbm>>
    %dma_start3A_25 = tpu.memref_squeeze %dma_start3A_24 : memref<32x4x1x128xi32, #tpu.memory_space<hbm>> -> memref<32x4x128xi32, #tpu.memory_space<hbm>>
    %dma_start3A_26 = arith.constant 0 : i32
    %dma_start3A_27 = arith.constant 0 : i32
    %dma_start3A_28 = tpu.memref_slice %arg4[%dma_start3A_26, %mul3A_2, %dma_start3A_21, %dma_start3A_27] : memref<32x128x8x128xi32, #tpu.memory_space<hbm>> -> memref<32x4x1x128xi32, #tpu.memory_space<hbm>>
    %dma_start3A_29 = tpu.memref_squeeze %dma_start3A_28 : memref<32x4x1x128xi32, #tpu.memory_space<hbm>> -> memref<32x4x128xi32, #tpu.memory_space<hbm>>
    tpu.enqueue_dma source(%dma_start3A_29 : memref<32x4x128xi32, #tpu.memory_space<hbm>>) target(%arg9 : memref<32x4x128xi32, #tpu.memory_space<vmem>>) target_semaphore(%arg15 : memref<!tpu.dma_semaphore, #tpu.memory_space<semaphore_mem>>)
    "tpu.region"() ({
      %run_scoped3A_119 = tpu.sem_alloc : memref<!tpu.dma_semaphore, #tpu.memory_space<semaphore_mem>>
      tpu.enqueue_dma source(%arg5 : memref<64xf32, #tpu.memory_space<hbm>>) target(%arg10 : memref<64xf32, #tpu.memory_space<vmem>>) target_semaphore(%run_scoped3A_119 : memref<!tpu.dma_semaphore, #tpu.memory_space<semaphore_mem>>)
      tpu.wait_dma2 semaphore(%run_scoped3A_119 : memref<!tpu.dma_semaphore, #tpu.memory_space<semaphore_mem>>) src(%arg5 : memref<64xf32, #tpu.memory_space<hbm>>) dst(%arg10 : memref<64xf32, #tpu.memory_space<vmem>>)
      tpu.yield
    }) : () -> ()
    %dma_wait3A = arith.constant 7 : i32
    %dma_wait3A_30 = arith.constant 0 : i32
    %dma_wait3A_31 = arith.constant 0 : i32
    %dma_wait3A_32 = tpu.memref_slice %arg3[%dma_wait3A_30, %mul3A_2, %dma_wait3A, %dma_wait3A_31] : memref<32x128x8x128xi32, #tpu.memory_space<hbm>> -> memref<32x4x1x128xi32, #tpu.memory_space<hbm>>
    %dma_wait3A_33 = tpu.memref_squeeze %dma_wait3A_32 : memref<32x4x1x128xi32, #tpu.memory_space<hbm>> -> memref<32x4x128xi32, #tpu.memory_space<hbm>>
    %dma_wait3A_34 = arith.constant 0 : i32
    %dma_wait3A_35 = arith.constant 0 : i32
    %dma_wait3A_36 = tpu.memref_slice %arg3[%dma_wait3A_34, %mul3A_2, %dma_wait3A, %dma_wait3A_35] : memref<32x128x8x128xi32, #tpu.memory_space<hbm>> -> memref<32x4x1x128xi32, #tpu.memory_space<hbm>>
    %dma_wait3A_37 = tpu.memref_squeeze %dma_wait3A_36 : memref<32x4x1x128xi32, #tpu.memory_space<hbm>> -> memref<32x4x128xi32, #tpu.memory_space<hbm>>
    tpu.wait_dma2 semaphore(%arg14 : memref<!tpu.dma_semaphore, #tpu.memory_space<semaphore_mem>>) src(%dma_wait3A_37 : memref<32x4x128xi32, #tpu.memory_space<hbm>>) dst(%arg8 : memref<32x4x128xi32, #tpu.memory_space<vmem>>)
    %get3A = arith.constant 0 : index
    %get3A_38 = tpu.vector_load %arg10[%get3A] {strides = array<i32>} : memref<64xf32, #tpu.memory_space<vmem>>, vector<16xf32>,
    %get3A_39 = arith.constant 16 : index
    %get3A_40 = tpu.vector_load %arg10[%get3A_39] {strides = array<i32>} : memref<64xf32, #tpu.memory_space<vmem>>, vector<16xf32>,
    %slice3A = vector.extract_strided_slice %get3A_38 {offsets = [0], sizes = [1], strides = [1]} : vector<16xf32> to vector<1xf32>
    %squeeze3A = vector.extract %slice3A[0] : f32 from vector<1xf32>
    %slice3A_41 = vector.extract_strided_slice %get3A_38 {offsets = [1], sizes = [1], strides = [1]} : vector<16xf32> to vector<1xf32>
    %squeeze3A_42 = vector.extract %slice3A_41[0] : f32 from vector<1xf32>
    %slice3A_43 = vector.extract_strided_slice %get3A_38 {offsets = [2], sizes = [1], strides = [1]} : vector<16xf32> to vector<1xf32>
    %squeeze3A_44 = vector.extract %slice3A_43[0] : f32 from vector<1xf32>
    %slice3A_45 = vector.extract_strided_slice %get3A_38 {offsets = [3], sizes = [1], strides = [1]} : vector<16xf32> to vector<1xf32>
    %squeeze3A_46 = vector.extract %slice3A_45[0] : f32 from vector<1xf32>
    %slice3A_47 = vector.extract_strided_slice %get3A_38 {offsets = [4], sizes = [1], strides = [1]} : vector<16xf32> to vector<1xf32>
    %squeeze3A_48 = vector.extract %slice3A_47[0] : f32 from vector<1xf32>
    %slice3A_49 = vector.extract_strided_slice %get3A_38 {offsets = [5], sizes = [1], strides = [1]} : vector<16xf32> to vector<1xf32>
    %squeeze3A_50 = vector.extract %slice3A_49[0] : f32 from vector<1xf32>
    %slice3A_51 = vector.extract_strided_slice %get3A_38 {offsets = [6], sizes = [1], strides = [1]} : vector<16xf32> to vector<1xf32>
    %squeeze3A_52 = vector.extract %slice3A_51[0] : f32 from vector<1xf32>
    %slice3A_53 = vector.extract_strided_slice %get3A_38 {offsets = [7], sizes = [1], strides = [1]} : vector<16xf32> to vector<1xf32>
    %squeeze3A_54 = vector.extract %slice3A_53[0] : f32 from vector<1xf32>
    %slice3A_55 = vector.extract_strided_slice %get3A_38 {offsets = [8], sizes = [1], strides = [1]} : vector<16xf32> to vector<1xf32>
    %squeeze3A_56 = vector.extract %slice3A_55[0] : f32 from vector<1xf32>
    %slice3A_57 = vector.extract_strided_slice %get3A_40 {offsets = [0], sizes = [1], strides = [1]} : vector<16xf32> to vector<1xf32>
    %squeeze3A_58 = vector.extract %slice3A_57[0] : f32 from vector<1xf32>
    %slice3A_59 = vector.extract_strided_slice %get3A_40 {offsets = [1], sizes = [1], strides = [1]} : vector<16xf32> to vector<1xf32>
    %squeeze3A_60 = vector.extract %slice3A_59[0] : f32 from vector<1xf32>
    %slice3A_61 = vector.extract_strided_slice %get3A_40 {offsets = [2], sizes = [1], strides = [1]} : vector<16xf32> to vector<1xf32>
    %squeeze3A_62 = vector.extract %slice3A_61[0] : f32 from vector<1xf32>
    %slice3A_63 = vector.extract_strided_slice %get3A_40 {offsets = [3], sizes = [1], strides = [1]} : vector<16xf32> to vector<1xf32>
    %squeeze3A_64 = vector.extract %slice3A_63[0] : f32 from vector<1xf32>
    %slice3A_65 = vector.extract_strided_slice %get3A_40 {offsets = [4], sizes = [1], strides = [1]} : vector<16xf32> to vector<1xf32>
    %squeeze3A_66 = vector.extract %slice3A_65[0] : f32 from vector<1xf32>
    %slice3A_67 = vector.extract_strided_slice %get3A_40 {offsets = [5], sizes = [1], strides = [1]} : vector<16xf32> to vector<1xf32>
    %squeeze3A_68 = vector.extract %slice3A_67[0] : f32 from vector<1xf32>
    %slice3A_69 = vector.extract_strided_slice %get3A_40 {offsets = [6], sizes = [1], strides = [1]} : vector<16xf32> to vector<1xf32>
    %squeeze3A_70 = vector.extract %slice3A_69[0] : f32 from vector<1xf32>
    %slice3A_71 = vector.extract_strided_slice %get3A_40 {offsets = [7], sizes = [1], strides = [1]} : vector<16xf32> to vector<1xf32>
    %squeeze3A_72 = vector.extract %slice3A_71[0] : f32 from vector<1xf32>
    %slice3A_73 = vector.extract_strided_slice %get3A_40 {offsets = [8], sizes = [1], strides = [1]} : vector<16xf32> to vector<1xf32>
    %squeeze3A_74 = vector.extract %slice3A_73[0] : f32 from vector<1xf32>
    %parallel_loop3A = arith.constant 0 : i32
    %parallel_loop3A_75 = arith.constant 32 : i32
    %parallel_loop3A_76 = arith.constant 1 : i32
    scf.for %parallel_loop3A_119 = %parallel_loop3A to %parallel_loop3A_75 step %parallel_loop3A_76  : i32 {
      %parallel_loop3A_120 = arith.constant 3 : i32
      %parallel_loop3A_121 = arith.shrsi %parallel_loop3A_119, %parallel_loop3A_120 : i32
      %parallel_loop3A_122 = arith.constant 7 : i32
      %parallel_loop3A_123 = arith.andi %parallel_loop3A_119, %parallel_loop3A_122 : i32
      %parallel_loop3A_124 = arith.constant 16 : i32
      %parallel_loop3A_125 = arith.muli %parallel_loop3A_123, %parallel_loop3A_124 : i32
      %parallel_loop3A_126 = arith.constant 0 : i32
      %parallel_loop3A_127 = vector.broadcast %parallel_loop3A_126 : i32 to vector<16xi32>
      %parallel_loop3A_128 = vector.broadcast %parallel_loop3A_121 : i32 to vector<16xi32>
      %parallel_loop3A_129 = arith.addi %parallel_loop3A_127, %parallel_loop3A_128 : vector<16xi32>
      %parallel_loop3A_130 = vector.broadcast %parallel_loop3A_125 : i32 to vector<16xi32>
      %parallel_loop3A_131 = arith.addi %parallel_loop3A_130, %iota3A : vector<16xi32>
      %parallel_loop3A_132 = arith.constant 0 : i32
      %parallel_loop3A_133 = vector.broadcast %parallel_loop3A_132 : i32 to vector<16xi32>
      %parallel_loop3A_134 = vector.broadcast %parallel_loop3A_119 : i32 to vector<16xi32>
      %parallel_loop3A_135 = arith.addi %parallel_loop3A_133, %parallel_loop3A_134 : vector<16xi32>
      %parallel_loop3A_136 = arith.constant 31 : i32
      %parallel_loop3A_137 = vector.broadcast %parallel_loop3A_136 : i32 to vector<16xi32>
      %parallel_loop3A_138 = arith.constant 1 : i32
      %parallel_loop3A_139 = vector.broadcast %parallel_loop3A_138 : i32 to vector<16xi32>
      %parallel_loop3A_140 = arith.constant 16 : i32
      %parallel_loop3A_141 = vector.broadcast %parallel_loop3A_140 : i32 to vector<16xi32>
      %parallel_loop3A_142 = arith.cmpi slt, %iota3A, %parallel_loop3A_141 : vector<16xi32>
      %parallel_loop3A_143 = arith.constant 0 : i32
      %parallel_loop3A_144:4 = scf.while (%while3A_148 = %parallel_loop3A_137, %while3A_149 = %parallel_loop3A_139, %while3A_150 = %parallel_loop3A_143, %while3A_151 = %parallel_loop3A_142) : (vector<16xi32>, vector<16xi32>, i32, vector<16xi1>) -> (vector<16xi32>, vector<16xi32>, i32, vector<16xi1>) {
        %parallel_loop3A_152 = arith.constant 1.000000e+00 : f32
        %parallel_loop3A_153 = arith.constant 0.000000e+00 : f32
        %parallel_loop3A_154 = vector.broadcast %parallel_loop3A_152 : f32 to vector<16xf32>
        %parallel_loop3A_155 = vector.broadcast %parallel_loop3A_153 : f32 to vector<16xf32>
        %parallel_loop3A_156 = arith.select %while3A_151, %parallel_loop3A_154, %parallel_loop3A_155 : vector<16xi1>, vector<16xf32>
        %parallel_loop3A_157 = arith.constant true
        %parallel_loop3A_158 = vector.broadcast %parallel_loop3A_157 : i1 to vector<16xi1>
        %parallel_loop3A_159 = tpu.scan <max>, %parallel_loop3A_156 masked %parallel_loop3A_158 : vector<16xf32>, vector<16xi1> -> vector<16xf32>
        %parallel_loop3A_160 = vector.extract %parallel_loop3A_159[15] : f32 from vector<16xf32>
        %parallel_loop3A_161 = arith.constant 0.000000e+00 : f32
        %parallel_loop3A_162 = arith.cmpf ogt, %parallel_loop3A_160, %parallel_loop3A_161 : f32
        scf.condition(%parallel_loop3A_162) %while3A_148, %while3A_149, %while3A_150, %while3A_151 : vector<16xi32>, vector<16xi32>, i32, vector<16xi1>
      } do {
      ^bb0(%while3A_148: vector<16xi32>, %while3A_149: vector<16xi32>, %while3A_150: i32, %while3A_151: vector<16xi1>):
        %parallel_loop3A_152 = arith.constant 0 : i32
        %parallel_loop3A_153 = vector.broadcast %parallel_loop3A_152 : i32 to vector<16xi32>
        %parallel_loop3A_154 = vector.broadcast %while3A_150 : i32 to vector<16xi32>
        %parallel_loop3A_155 = arith.addi %parallel_loop3A_153, %parallel_loop3A_154 : vector<16xi32>
        tpu.vector_store_idx %arg11[%parallel_loop3A_135, %parallel_loop3A_155, %iota3A], %while3A_148 masked %while3A_151 : memref<32x32x16xi32, #tpu.memory_space<vmem>>[vector<16xi32>, vector<16xi32>, vector<16xi32>], vector<16xi32>, vector<16xi1>
        %parallel_loop3A_156 = tpu.vector_load_idx %arg8[%while3A_148, %parallel_loop3A_129, %parallel_loop3A_131] : memref<32x4x128xi32, #tpu.memory_space<vmem>>[vector<16xi32>, vector<16xi32>, vector<16xi32>], vector<16xi32>,
        %parallel_loop3A_157 = arith.cmpi slt, %parallel_loop3A_156, %while3A_148 : vector<16xi32>
        %parallel_loop3A_158 = arith.andi %while3A_151, %parallel_loop3A_157 : vector<16xi1>
        %parallel_loop3A_159 = arith.select %parallel_loop3A_158, %parallel_loop3A_156, %while3A_148 : vector<16xi1>, vector<16xi32>
        %parallel_loop3A_160 = arith.extui %parallel_loop3A_158 : vector<16xi1> to vector<16xi32>
        %parallel_loop3A_161 = arith.addi %while3A_149, %parallel_loop3A_160 : vector<16xi32>
        %parallel_loop3A_162 = arith.constant 1 : i32
        %parallel_loop3A_163 = arith.addi %while3A_150, %parallel_loop3A_162 : i32
        scf.yield %parallel_loop3A_159, %parallel_loop3A_161, %parallel_loop3A_163, %parallel_loop3A_158 : vector<16xi32>, vector<16xi32>, i32, vector<16xi1>
      }
      %parallel_loop3A_145 = arith.index_cast %parallel_loop3A_119 : i32 to index
      %parallel_loop3A_146 = arith.constant 0 : index
      %parallel_loop3A_147 = tpu.vector_load %arg12[%parallel_loop3A_145, %parallel_loop3A_146] {strides = array<i32>} : memref<32x16xi32, #tpu.memory_space<vmem>>, vector<16xi32>,
      tpu.vector_store %arg12[%parallel_loop3A_145, %parallel_loop3A_146], %parallel_loop3A_144#1 {strides = array<i32>} : memref<32x16xi32, #tpu.memory_space<vmem>>, vector<16xi32>,
    } {sc.loop_unroll_factor = 1 : i64, sc.parallel_access}
    %broadcast_in_dim3A = arith.constant 1 : i32
    %broadcast_in_dim3A_77 = vector.broadcast %broadcast_in_dim3A : i32 to vector<16xi32>
    %scan3A = arith.constant 0 : i32
    %scan3A_78 = arith.constant 32 : i32
    %scan3A_79 = arith.addi %scan3A, %scan3A_78 : i32
    %scan3A_80 = arith.constant 1 : i32
    %scan3A_81 = scf.for %scan3A_119 = %scan3A to %scan3A_79 step %scan3A_80 iter_args(%scan3A_120 = %broadcast_in_dim3A_77) -> (vector<16xi32>)  : i32 {
      %get3A_121 = arith.index_cast %scan3A_119 : i32 to index
      %get3A_122 = arith.constant 0 : index
      %get3A_123 = tpu.vector_load %arg12[%get3A_121, %get3A_122] {strides = array<i32>} : memref<32x16xi32, #tpu.memory_space<vmem>>, vector<16xi32>,
      %max3A = arith.maxsi %scan3A_120, %get3A_123 : vector<16xi32>
      scf.yield %max3A : vector<16xi32>
    }
    %scan3A_82 = arith.constant 32 : i32
    %reduce_max3A = arith.constant true
    %reduce_max3A_83 = vector.broadcast %reduce_max3A : i1 to vector<16xi1>
    %reduce_max3A_84 = arith.constant -2147483648 : i32
    %reduce_max3A_85 = vector.broadcast %reduce_max3A_84 : i32 to vector<16xi32>
    %reduce_max3A_86 = arith.xori %scan3A_81, %reduce_max3A_85 : vector<16xi32>
    %reduce_max3A_87 = tpu.scan <max>, %reduce_max3A_86 masked %reduce_max3A_83 : vector<16xi32>, vector<16xi1> -> vector<16xi32>
    %reduce_max3A_88 = arith.xori %reduce_max3A_87, %reduce_max3A_85 : vector<16xi32>
    %reduce_max3A_89 = vector.extract %reduce_max3A_88[15] : i32 from vector<16xi32>
    %dma_wait3A_90 = arith.constant 0 : i32
    %dma_wait3A_91 = arith.constant 0 : i32
    %dma_wait3A_92 = arith.constant 0 : i32
    %dma_wait3A_93 = arith.constant 0 : i32
    %dma_wait3A_94 = tpu.memref_slice %arg2[%dma_wait3A_90, %dma_wait3A_91, %mul3A_2, %dma_wait3A_92, %dma_wait3A_93] : memref<3x4x128x8x128xf32, #tpu.memory_space<hbm>> -> memref<3x4x4x8x128xf32, #tpu.memory_space<hbm>>
    %dma_wait3A_95 = arith.constant 0 : i32
    %dma_wait3A_96 = arith.constant 0 : i32
    %dma_wait3A_97 = arith.constant 0 : i32
    %dma_wait3A_98 = arith.constant 0 : i32
    %dma_wait3A_99 = tpu.memref_slice %arg2[%dma_wait3A_95, %dma_wait3A_96, %mul3A_2, %dma_wait3A_97, %dma_wait3A_98] : memref<3x4x128x8x128xf32, #tpu.memory_space<hbm>> -> memref<3x4x4x8x128xf32, #tpu.memory_space<hbm>>
    tpu.wait_dma2 semaphore(%arg13 : memref<!tpu.dma_semaphore, #tpu.memory_space<semaphore_mem>>) src(%dma_wait3A_99 : memref<3x4x4x8x128xf32, #tpu.memory_space<hbm>>) dst(%arg7 : memref<3x4x4x8x128xf32, #tpu.memory_space<vmem>>)
    %dma_wait3A_100 = arith.constant 7 : i32
    %dma_wait3A_101 = arith.constant 0 : i32
    %dma_wait3A_102 = arith.constant 0 : i32
    %dma_wait3A_103 = tpu.memref_slice %arg4[%dma_wait3A_101, %mul3A_2, %dma_wait3A_100, %dma_wait3A_102] : memref<32x128x8x128xi32, #tpu.memory_space<hbm>> -> memref<32x4x1x128xi32, #tpu.memory_space<hbm>>
    %dma_wait3A_104 = tpu.memref_squeeze %dma_wait3A_103 : memref<32x4x1x128xi32, #tpu.memory_space<hbm>> -> memref<32x4x128xi32, #tpu.memory_space<hbm>>
    %dma_wait3A_105 = arith.constant 0 : i32
    %dma_wait3A_106 = arith.constant 0 : i32
    %dma_wait3A_107 = tpu.memref_slice %arg4[%dma_wait3A_105, %mul3A_2, %dma_wait3A_100, %dma_wait3A_106] : memref<32x128x8x128xi32, #tpu.memory_space<hbm>> -> memref<32x4x1x128xi32, #tpu.memory_space<hbm>>
    %dma_wait3A_108 = tpu.memref_squeeze %dma_wait3A_107 : memref<32x4x1x128xi32, #tpu.memory_space<hbm>> -> memref<32x4x128xi32, #tpu.memory_space<hbm>>
    tpu.wait_dma2 semaphore(%arg15 : memref<!tpu.dma_semaphore, #tpu.memory_space<semaphore_mem>>) src(%dma_wait3A_108 : memref<32x4x128xi32, #tpu.memory_space<hbm>>) dst(%arg9 : memref<32x4x128xi32, #tpu.memory_space<vmem>>)
    %while3A = arith.constant 0 : i32
    %while3A_109 = arith.constant 0 : i32
    %while3A_110 = arith.subi %reduce_max3A_89, %while3A_109 : i32
    %while3A_111 = arith.addi %while3A_109, %while3A_110 : i32
    %while3A_112 = arith.constant 1 : i32
    %while3A_113 = arith.divsi %while3A_110, %while3A_112 : i32
    %while3A_114 = arith.muli %while3A_113, %while3A_112 : i32
    %while3A_115 = arith.addi %while3A_109, %while3A_114 : i32
    %while3A_116 = arith.constant 1 : i32
    scf.for %while3A_119 = %while3A_109 to %while3A_115 step %while3A_116  : i32 {
      %sub3A = arith.constant 1 : i32
      %sub3A_120 = arith.subi %reduce_max3A_89, %sub3A : i32
      %sub3A_121 = arith.subi %sub3A_120, %while3A_119 : i32
      %parallel_loop3A_122 = arith.constant 0 : i32
      %parallel_loop3A_123 = arith.constant 32 : i32
      %parallel_loop3A_124 = arith.constant 1 : i32
      scf.for %parallel_loop3A_125 = %parallel_loop3A_122 to %parallel_loop3A_123 step %parallel_loop3A_124  : i32 {
        %parallel_loop3A_126 = arith.constant 3 : i32
        %parallel_loop3A_127 = arith.shrsi %parallel_loop3A_125, %parallel_loop3A_126 : i32
        %parallel_loop3A_128 = arith.constant 7 : i32
        %parallel_loop3A_129 = arith.andi %parallel_loop3A_125, %parallel_loop3A_128 : i32
        %parallel_loop3A_130 = arith.constant 16 : i32
        %parallel_loop3A_131 = arith.muli %parallel_loop3A_129, %parallel_loop3A_130 : i32
        %parallel_loop3A_132 = arith.constant 0 : i32
        %parallel_loop3A_133 = vector.broadcast %parallel_loop3A_132 : i32 to vector<16xi32>
        %parallel_loop3A_134 = vector.broadcast %parallel_loop3A_127 : i32 to vector<16xi32>
        %parallel_loop3A_135 = arith.addi %parallel_loop3A_133, %parallel_loop3A_134 : vector<16xi32>
        %parallel_loop3A_136 = vector.broadcast %parallel_loop3A_131 : i32 to vector<16xi32>
        %parallel_loop3A_137 = arith.addi %parallel_loop3A_136, %iota3A : vector<16xi32>
        %parallel_loop3A_138 = arith.index_cast %parallel_loop3A_125 : i32 to index
        %parallel_loop3A_139 = arith.constant 0 : index
        %parallel_loop3A_140 = tpu.vector_load %arg12[%parallel_loop3A_138, %parallel_loop3A_139] {strides = array<i32>} : memref<32x16xi32, #tpu.memory_space<vmem>>, vector<16xi32>,
        %parallel_loop3A_141 = vector.broadcast %sub3A_121 : i32 to vector<16xi32>
        %parallel_loop3A_142 = arith.cmpi slt, %parallel_loop3A_141, %parallel_loop3A_140 : vector<16xi32>
        %parallel_loop3A_143 = arith.index_cast %parallel_loop3A_125 : i32 to index
        %parallel_loop3A_144 = arith.index_cast %sub3A_121 : i32 to index
        %parallel_loop3A_145 = arith.constant 0 : index
        %parallel_loop3A_146 = tpu.vector_load %arg11[%parallel_loop3A_143, %parallel_loop3A_144, %parallel_loop3A_145] {strides = array<i32>} : memref<32x32x16xi32, #tpu.memory_space<vmem>>, vector<16xi32>,
        %parallel_loop3A_147 = arith.constant 0 : i32
        %parallel_loop3A_148 = vector.broadcast %parallel_loop3A_147 : i32 to vector<16xi32>
        %parallel_loop3A_149 = arith.maxsi %parallel_loop3A_146, %parallel_loop3A_148 : vector<16xi32>
        %parallel_loop3A_150 = arith.constant 31 : i32
        %parallel_loop3A_151 = vector.broadcast %parallel_loop3A_150 : i32 to vector<16xi32>
        %parallel_loop3A_152 = arith.minsi %parallel_loop3A_149, %parallel_loop3A_151 : vector<16xi32>
        %parallel_loop3A_153 = arith.constant 3 : i32
        %parallel_loop3A_154 = vector.broadcast %parallel_loop3A_153 : i32 to vector<16xi32>
        %parallel_loop3A_155 = arith.shrui %parallel_loop3A_152, %parallel_loop3A_154 : vector<16xi32>
        %parallel_loop3A_156 = arith.constant 7 : i32
        %parallel_loop3A_157 = vector.broadcast %parallel_loop3A_156 : i32 to vector<16xi32>
        %parallel_loop3A_158 = arith.andi %parallel_loop3A_152, %parallel_loop3A_157 : vector<16xi32>
        %parallel_loop3A_159 = tpu.vector_load_idx %arg8[%parallel_loop3A_152, %parallel_loop3A_135, %parallel_loop3A_137] : memref<32x4x128xi32, #tpu.memory_space<vmem>>[vector<16xi32>, vector<16xi32>, vector<16xi32>], vector<16xi32>,
        %parallel_loop3A_160 = tpu.vector_load_idx %arg9[%parallel_loop3A_152, %parallel_loop3A_135, %parallel_loop3A_137] : memref<32x4x128xi32, #tpu.memory_space<vmem>>[vector<16xi32>, vector<16xi32>, vector<16xi32>], vector<16xi32>,
        %parallel_loop3A_161 = arith.constant 3 : i32
        %parallel_loop3A_162 = vector.broadcast %parallel_loop3A_161 : i32 to vector<16xi32>
        %parallel_loop3A_163 = arith.shrui %parallel_loop3A_159, %parallel_loop3A_162 : vector<16xi32>
        %parallel_loop3A_164 = arith.constant 7 : i32
        %parallel_loop3A_165 = vector.broadcast %parallel_loop3A_164 : i32 to vector<16xi32>
        %parallel_loop3A_166 = arith.andi %parallel_loop3A_159, %parallel_loop3A_165 : vector<16xi32>
        %parallel_loop3A_167 = arith.constant 0 : i32
        %parallel_loop3A_168 = vector.broadcast %parallel_loop3A_167 : i32 to vector<16xi32>
        %parallel_loop3A_169 = tpu.vector_load_idx %arg7[%parallel_loop3A_168, %parallel_loop3A_155, %parallel_loop3A_135, %parallel_loop3A_158, %parallel_loop3A_137] : memref<3x4x4x8x128xf32, #tpu.memory_space<vmem>>[vector<16xi32>, vector<16xi32>, vector<16xi32>, vector<16xi32>, vector<16xi32>], vector<16xf32>,
        %parallel_loop3A_170 = arith.constant 1 : i32
        %parallel_loop3A_171 = vector.broadcast %parallel_loop3A_170 : i32 to vector<16xi32>
        %parallel_loop3A_172 = tpu.vector_load_idx %arg7[%parallel_loop3A_171, %parallel_loop3A_155, %parallel_loop3A_135, %parallel_loop3A_158, %parallel_loop3A_137] : memref<3x4x4x8x128xf32, #tpu.memory_space<vmem>>[vector<16xi32>, vector<16xi32>, vector<16xi32>, vector<16xi32>, vector<16xi32>], vector<16xf32>,
        %parallel_loop3A_173 = arith.constant 2 : i32
        %parallel_loop3A_174 = vector.broadcast %parallel_loop3A_173 : i32 to vector<16xi32>
        %parallel_loop3A_175 = tpu.vector_load_idx %arg7[%parallel_loop3A_174, %parallel_loop3A_155, %parallel_loop3A_135, %parallel_loop3A_158, %parallel_loop3A_137] : memref<3x4x4x8x128xf32, #tpu.memory_space<vmem>>[vector<16xi32>, vector<16xi32>, vector<16xi32>, vector<16xi32>, vector<16xi32>], vector<16xf32>,
        %parallel_loop3A_176 = arith.constant 0 : i32
        %parallel_loop3A_177 = vector.broadcast %parallel_loop3A_176 : i32 to vector<16xi32>
        %parallel_loop3A_178 = tpu.vector_load_idx %arg7[%parallel_loop3A_177, %parallel_loop3A_163, %parallel_loop3A_135, %parallel_loop3A_166, %parallel_loop3A_137] : memref<3x4x4x8x128xf32, #tpu.memory_space<vmem>>[vector<16xi32>, vector<16xi32>, vector<16xi32>, vector<16xi32>, vector<16xi32>], vector<16xf32>,
        %parallel_loop3A_179 = arith.constant 1 : i32
        %parallel_loop3A_180 = vector.broadcast %parallel_loop3A_179 : i32 to vector<16xi32>
        %parallel_loop3A_181 = tpu.vector_load_idx %arg7[%parallel_loop3A_180, %parallel_loop3A_163, %parallel_loop3A_135, %parallel_loop3A_166, %parallel_loop3A_137] : memref<3x4x4x8x128xf32, #tpu.memory_space<vmem>>[vector<16xi32>, vector<16xi32>, vector<16xi32>, vector<16xi32>, vector<16xi32>], vector<16xf32>,
        %parallel_loop3A_182 = arith.constant 2 : i32
        %parallel_loop3A_183 = vector.broadcast %parallel_loop3A_182 : i32 to vector<16xi32>
        %parallel_loop3A_184 = tpu.vector_load_idx %arg7[%parallel_loop3A_183, %parallel_loop3A_163, %parallel_loop3A_135, %parallel_loop3A_166, %parallel_loop3A_137] : memref<3x4x4x8x128xf32, #tpu.memory_space<vmem>>[vector<16xi32>, vector<16xi32>, vector<16xi32>, vector<16xi32>, vector<16xi32>], vector<16xf32>,
        %parallel_loop3A_185 = arith.constant 3 : i32
        %parallel_loop3A_186 = vector.broadcast %parallel_loop3A_185 : i32 to vector<16xi32>
        %parallel_loop3A_187 = arith.muli %parallel_loop3A_160, %parallel_loop3A_186 : vector<16xi32>
        %parallel_loop3A_188 = arith.constant 32 : i32
        %parallel_loop3A_189 = vector.broadcast %parallel_loop3A_188 : i32 to vector<16xi32>
        %parallel_loop3A_190 = arith.addi %parallel_loop3A_187, %parallel_loop3A_189 : vector<16xi32>
        %parallel_loop3A_191 = tpu.vector_load_idx %arg10[%parallel_loop3A_190] : memref<64xf32, #tpu.memory_space<vmem>>[vector<16xi32>], vector<16xf32>,
        %parallel_loop3A_192 = arith.constant 3 : i32
        %parallel_loop3A_193 = vector.broadcast %parallel_loop3A_192 : i32 to vector<16xi32>
        %parallel_loop3A_194 = arith.muli %parallel_loop3A_160, %parallel_loop3A_193 : vector<16xi32>
        %parallel_loop3A_195 = arith.constant 33 : i32
        %parallel_loop3A_196 = vector.broadcast %parallel_loop3A_195 : i32 to vector<16xi32>
        %parallel_loop3A_197 = arith.addi %parallel_loop3A_194, %parallel_loop3A_196 : vector<16xi32>
        %parallel_loop3A_198 = tpu.vector_load_idx %arg10[%parallel_loop3A_197] : memref<64xf32, #tpu.memory_space<vmem>>[vector<16xi32>], vector<16xf32>,
        %parallel_loop3A_199 = arith.constant 3 : i32
        %parallel_loop3A_200 = vector.broadcast %parallel_loop3A_199 : i32 to vector<16xi32>
        %parallel_loop3A_201 = arith.muli %parallel_loop3A_160, %parallel_loop3A_200 : vector<16xi32>
        %parallel_loop3A_202 = arith.constant 34 : i32
        %parallel_loop3A_203 = vector.broadcast %parallel_loop3A_202 : i32 to vector<16xi32>
        %parallel_loop3A_204 = arith.addi %parallel_loop3A_201, %parallel_loop3A_203 : vector<16xi32>
        %parallel_loop3A_205 = tpu.vector_load_idx %arg10[%parallel_loop3A_204] : memref<64xf32, #tpu.memory_space<vmem>>[vector<16xi32>], vector<16xf32>,
        %parallel_loop3A_206 = vector.broadcast %squeeze3A : f32 to vector<16xf32>
        %parallel_loop3A_207 = arith.mulf %parallel_loop3A_206, %parallel_loop3A_169 : vector<16xf32>
        %parallel_loop3A_208 = arith.addf %parallel_loop3A_191, %parallel_loop3A_207 : vector<16xf32>
        %parallel_loop3A_209 = vector.broadcast %squeeze3A_58 : f32 to vector<16xf32>
        %parallel_loop3A_210 = arith.mulf %parallel_loop3A_209, %parallel_loop3A_178 : vector<16xf32>
        %parallel_loop3A_211 = arith.addf %parallel_loop3A_208, %parallel_loop3A_210 : vector<16xf32>
        %parallel_loop3A_212 = vector.broadcast %squeeze3A_46 : f32 to vector<16xf32>
        %parallel_loop3A_213 = arith.mulf %parallel_loop3A_212, %parallel_loop3A_172 : vector<16xf32>
        %parallel_loop3A_214 = arith.addf %parallel_loop3A_211, %parallel_loop3A_213 : vector<16xf32>
        %parallel_loop3A_215 = vector.broadcast %squeeze3A_64 : f32 to vector<16xf32>
        %parallel_loop3A_216 = arith.mulf %parallel_loop3A_215, %parallel_loop3A_181 : vector<16xf32>
        %parallel_loop3A_217 = arith.addf %parallel_loop3A_214, %parallel_loop3A_216 : vector<16xf32>
        %parallel_loop3A_218 = vector.broadcast %squeeze3A_52 : f32 to vector<16xf32>
        %parallel_loop3A_219 = arith.mulf %parallel_loop3A_218, %parallel_loop3A_175 : vector<16xf32>
        %parallel_loop3A_220 = arith.addf %parallel_loop3A_217, %parallel_loop3A_219 : vector<16xf32>
        %parallel_loop3A_221 = vector.broadcast %squeeze3A_70 : f32 to vector<16xf32>
        %parallel_loop3A_222 = arith.mulf %parallel_loop3A_221, %parallel_loop3A_184 : vector<16xf32>
        %parallel_loop3A_223 = arith.addf %parallel_loop3A_220, %parallel_loop3A_222 : vector<16xf32>
        %parallel_loop3A_224 = math.absf %parallel_loop3A_223 : vector<16xf32>
        %parallel_loop3A_225 = arith.constant 0.000000e+00 : f32
        %parallel_loop3A_226 = vector.broadcast %parallel_loop3A_225 : f32 to vector<16xf32>
        %parallel_loop3A_227 = arith.subf %parallel_loop3A_226, %parallel_loop3A_224 : vector<16xf32>
        %parallel_loop3A_228 = math.exp %parallel_loop3A_227 : vector<16xf32>
        %parallel_loop3A_229 = arith.constant 0.0142028593 : f32
        %parallel_loop3A_230 = vector.broadcast %parallel_loop3A_229 : f32 to vector<16xf32>
        %parallel_loop3A_231 = arith.mulf %parallel_loop3A_230, %parallel_loop3A_228 : vector<16xf32>
        %parallel_loop3A_232 = arith.constant -0.0665882081 : f32
        %parallel_loop3A_233 = vector.broadcast %parallel_loop3A_232 : f32 to vector<16xf32>
        %parallel_loop3A_234 = arith.addf %parallel_loop3A_231, %parallel_loop3A_233 : vector<16xf32>
        %parallel_loop3A_235 = arith.mulf %parallel_loop3A_234, %parallel_loop3A_228 : vector<16xf32>
        %parallel_loop3A_236 = arith.constant 0.149434835 : f32
        %parallel_loop3A_237 = vector.broadcast %parallel_loop3A_236 : f32 to vector<16xf32>
        %parallel_loop3A_238 = arith.addf %parallel_loop3A_235, %parallel_loop3A_237 : vector<16xf32>
        %parallel_loop3A_239 = arith.mulf %parallel_loop3A_238, %parallel_loop3A_228 : vector<16xf32>
        %parallel_loop3A_240 = arith.constant -0.235148817 : f32
        %parallel_loop3A_241 = vector.broadcast %parallel_loop3A_240 : f32 to vector<16xf32>
        %parallel_loop3A_242 = arith.addf %parallel_loop3A_239, %parallel_loop3A_241 : vector<16xf32>
        %parallel_loop3A_243 = arith.mulf %parallel_loop3A_242, %parallel_loop3A_228 : vector<16xf32>
        %parallel_loop3A_244 = arith.constant 0.33112058 : f32
        %parallel_loop3A_245 = vector.broadcast %parallel_loop3A_244 : f32 to vector<16xf32>
        %parallel_loop3A_246 = arith.addf %parallel_loop3A_243, %parallel_loop3A_245 : vector<16xf32>
        %parallel_loop3A_247 = arith.mulf %parallel_loop3A_246, %parallel_loop3A_228 : vector<16xf32>
        %parallel_loop3A_248 = arith.constant -0.499871939 : f32
        %parallel_loop3A_249 = vector.broadcast %parallel_loop3A_248 : f32 to vector<16xf32>
        %parallel_loop3A_250 = arith.addf %parallel_loop3A_247, %parallel_loop3A_249 : vector<16xf32>
        %parallel_loop3A_251 = arith.mulf %parallel_loop3A_250, %parallel_loop3A_228 : vector<16xf32>
        %parallel_loop3A_252 = arith.constant 0.999998748 : f32
        %parallel_loop3A_253 = vector.broadcast %parallel_loop3A_252 : f32 to vector<16xf32>
        %parallel_loop3A_254 = arith.addf %parallel_loop3A_251, %parallel_loop3A_253 : vector<16xf32>
        %parallel_loop3A_255 = arith.constant 0.000000e+00 : f32
        %parallel_loop3A_256 = vector.broadcast %parallel_loop3A_255 : f32 to vector<16xf32>
        %parallel_loop3A_257 = arith.maximumf %parallel_loop3A_223, %parallel_loop3A_256 : vector<16xf32>
        %parallel_loop3A_258 = arith.mulf %parallel_loop3A_228, %parallel_loop3A_254 : vector<16xf32>
        %parallel_loop3A_259 = arith.addf %parallel_loop3A_257, %parallel_loop3A_258 : vector<16xf32>
        %parallel_loop3A_260 = arith.constant 9.99999997E-7 : f32
        %parallel_loop3A_261 = vector.broadcast %parallel_loop3A_260 : f32 to vector<16xf32>
        %parallel_loop3A_262 = arith.addf %parallel_loop3A_259, %parallel_loop3A_261 : vector<16xf32>
        %parallel_loop3A_263 = vector.broadcast %squeeze3A_42 : f32 to vector<16xf32>
        %parallel_loop3A_264 = arith.mulf %parallel_loop3A_263, %parallel_loop3A_169 : vector<16xf32>
        %parallel_loop3A_265 = arith.addf %parallel_loop3A_198, %parallel_loop3A_264 : vector<16xf32>
        %parallel_loop3A_266 = vector.broadcast %squeeze3A_60 : f32 to vector<16xf32>
        %parallel_loop3A_267 = arith.mulf %parallel_loop3A_266, %parallel_loop3A_178 : vector<16xf32>
        %parallel_loop3A_268 = arith.addf %parallel_loop3A_265, %parallel_loop3A_267 : vector<16xf32>
        %parallel_loop3A_269 = vector.broadcast %squeeze3A_48 : f32 to vector<16xf32>
        %parallel_loop3A_270 = arith.mulf %parallel_loop3A_269, %parallel_loop3A_172 : vector<16xf32>
        %parallel_loop3A_271 = arith.addf %parallel_loop3A_268, %parallel_loop3A_270 : vector<16xf32>
        %parallel_loop3A_272 = vector.broadcast %squeeze3A_66 : f32 to vector<16xf32>
        %parallel_loop3A_273 = arith.mulf %parallel_loop3A_272, %parallel_loop3A_181 : vector<16xf32>
        %parallel_loop3A_274 = arith.addf %parallel_loop3A_271, %parallel_loop3A_273 : vector<16xf32>
        %parallel_loop3A_275 = vector.broadcast %squeeze3A_54 : f32 to vector<16xf32>
        %parallel_loop3A_276 = arith.mulf %parallel_loop3A_275, %parallel_loop3A_175 : vector<16xf32>
        %parallel_loop3A_277 = arith.addf %parallel_loop3A_274, %parallel_loop3A_276 : vector<16xf32>
        %parallel_loop3A_278 = vector.broadcast %squeeze3A_72 : f32 to vector<16xf32>
        %parallel_loop3A_279 = arith.mulf %parallel_loop3A_278, %parallel_loop3A_184 : vector<16xf32>
        %parallel_loop3A_280 = arith.addf %parallel_loop3A_277, %parallel_loop3A_279 : vector<16xf32>
        %parallel_loop3A_281 = math.absf %parallel_loop3A_280 : vector<16xf32>
        %parallel_loop3A_282 = arith.constant 0.000000e+00 : f32
        %parallel_loop3A_283 = vector.broadcast %parallel_loop3A_282 : f32 to vector<16xf32>
        %parallel_loop3A_284 = arith.subf %parallel_loop3A_283, %parallel_loop3A_281 : vector<16xf32>
        %parallel_loop3A_285 = math.exp %parallel_loop3A_284 : vector<16xf32>
        %parallel_loop3A_286 = arith.constant 0.0142028593 : f32
        %parallel_loop3A_287 = vector.broadcast %parallel_loop3A_286 : f32 to vector<16xf32>
        %parallel_loop3A_288 = arith.mulf %parallel_loop3A_287, %parallel_loop3A_285 : vector<16xf32>
        %parallel_loop3A_289 = arith.constant -0.0665882081 : f32
        %parallel_loop3A_290 = vector.broadcast %parallel_loop3A_289 : f32 to vector<16xf32>
        %parallel_loop3A_291 = arith.addf %parallel_loop3A_288, %parallel_loop3A_290 : vector<16xf32>
        %parallel_loop3A_292 = arith.mulf %parallel_loop3A_291, %parallel_loop3A_285 : vector<16xf32>
        %parallel_loop3A_293 = arith.constant 0.149434835 : f32
        %parallel_loop3A_294 = vector.broadcast %parallel_loop3A_293 : f32 to vector<16xf32>
        %parallel_loop3A_295 = arith.addf %parallel_loop3A_292, %parallel_loop3A_294 : vector<16xf32>
        %parallel_loop3A_296 = arith.mulf %parallel_loop3A_295, %parallel_loop3A_285 : vector<16xf32>
        %parallel_loop3A_297 = arith.constant -0.235148817 : f32
        %parallel_loop3A_298 = vector.broadcast %parallel_loop3A_297 : f32 to vector<16xf32>
        %parallel_loop3A_299 = arith.addf %parallel_loop3A_296, %parallel_loop3A_298 : vector<16xf32>
        %parallel_loop3A_300 = arith.mulf %parallel_loop3A_299, %parallel_loop3A_285 : vector<16xf32>
        %parallel_loop3A_301 = arith.constant 0.33112058 : f32
        %parallel_loop3A_302 = vector.broadcast %parallel_loop3A_301 : f32 to vector<16xf32>
        %parallel_loop3A_303 = arith.addf %parallel_loop3A_300, %parallel_loop3A_302 : vector<16xf32>
        %parallel_loop3A_304 = arith.mulf %parallel_loop3A_303, %parallel_loop3A_285 : vector<16xf32>
        %parallel_loop3A_305 = arith.constant -0.499871939 : f32
        %parallel_loop3A_306 = vector.broadcast %parallel_loop3A_305 : f32 to vector<16xf32>
        %parallel_loop3A_307 = arith.addf %parallel_loop3A_304, %parallel_loop3A_306 : vector<16xf32>
        %parallel_loop3A_308 = arith.mulf %parallel_loop3A_307, %parallel_loop3A_285 : vector<16xf32>
        %parallel_loop3A_309 = arith.constant 0.999998748 : f32
        %parallel_loop3A_310 = vector.broadcast %parallel_loop3A_309 : f32 to vector<16xf32>
        %parallel_loop3A_311 = arith.addf %parallel_loop3A_308, %parallel_loop3A_310 : vector<16xf32>
        %parallel_loop3A_312 = arith.constant 0.000000e+00 : f32
        %parallel_loop3A_313 = vector.broadcast %parallel_loop3A_312 : f32 to vector<16xf32>
        %parallel_loop3A_314 = arith.maximumf %parallel_loop3A_280, %parallel_loop3A_313 : vector<16xf32>
        %parallel_loop3A_315 = arith.mulf %parallel_loop3A_285, %parallel_loop3A_311 : vector<16xf32>
        %parallel_loop3A_316 = arith.addf %parallel_loop3A_314, %parallel_loop3A_315 : vector<16xf32>
        %parallel_loop3A_317 = arith.constant 9.99999997E-7 : f32
        %parallel_loop3A_318 = vector.broadcast %parallel_loop3A_317 : f32 to vector<16xf32>
        %parallel_loop3A_319 = arith.addf %parallel_loop3A_316, %parallel_loop3A_318 : vector<16xf32>
        %parallel_loop3A_320 = vector.broadcast %squeeze3A_44 : f32 to vector<16xf32>
        %parallel_loop3A_321 = arith.mulf %parallel_loop3A_320, %parallel_loop3A_169 : vector<16xf32>
        %parallel_loop3A_322 = arith.addf %parallel_loop3A_205, %parallel_loop3A_321 : vector<16xf32>
        %parallel_loop3A_323 = vector.broadcast %squeeze3A_62 : f32 to vector<16xf32>
        %parallel_loop3A_324 = arith.mulf %parallel_loop3A_323, %parallel_loop3A_178 : vector<16xf32>
        %parallel_loop3A_325 = arith.addf %parallel_loop3A_322, %parallel_loop3A_324 : vector<16xf32>
        %parallel_loop3A_326 = vector.broadcast %squeeze3A_50 : f32 to vector<16xf32>
        %parallel_loop3A_327 = arith.mulf %parallel_loop3A_326, %parallel_loop3A_172 : vector<16xf32>
        %parallel_loop3A_328 = arith.addf %parallel_loop3A_325, %parallel_loop3A_327 : vector<16xf32>
        %parallel_loop3A_329 = vector.broadcast %squeeze3A_68 : f32 to vector<16xf32>
        %parallel_loop3A_330 = arith.mulf %parallel_loop3A_329, %parallel_loop3A_181 : vector<16xf32>
        %parallel_loop3A_331 = arith.addf %parallel_loop3A_328, %parallel_loop3A_330 : vector<16xf32>
        %parallel_loop3A_332 = vector.broadcast %squeeze3A_56 : f32 to vector<16xf32>
        %parallel_loop3A_333 = arith.mulf %parallel_loop3A_332, %parallel_loop3A_175 : vector<16xf32>
        %parallel_loop3A_334 = arith.addf %parallel_loop3A_331, %parallel_loop3A_333 : vector<16xf32>
        %parallel_loop3A_335 = vector.broadcast %squeeze3A_74 : f32 to vector<16xf32>
        %parallel_loop3A_336 = arith.mulf %parallel_loop3A_335, %parallel_loop3A_184 : vector<16xf32>
        %parallel_loop3A_337 = arith.addf %parallel_loop3A_334, %parallel_loop3A_336 : vector<16xf32>
        %parallel_loop3A_338 = math.absf %parallel_loop3A_337 : vector<16xf32>
        %parallel_loop3A_339 = arith.constant 0.000000e+00 : f32
        %parallel_loop3A_340 = vector.broadcast %parallel_loop3A_339 : f32 to vector<16xf32>
        %parallel_loop3A_341 = arith.subf %parallel_loop3A_340, %parallel_loop3A_338 : vector<16xf32>
        %parallel_loop3A_342 = math.exp %parallel_loop3A_341 : vector<16xf32>
        %parallel_loop3A_343 = arith.constant 0.0142028593 : f32
        %parallel_loop3A_344 = vector.broadcast %parallel_loop3A_343 : f32 to vector<16xf32>
        %parallel_loop3A_345 = arith.mulf %parallel_loop3A_344, %parallel_loop3A_342 : vector<16xf32>
        %parallel_loop3A_346 = arith.constant -0.0665882081 : f32
        %parallel_loop3A_347 = vector.broadcast %parallel_loop3A_346 : f32 to vector<16xf32>
        %parallel_loop3A_348 = arith.addf %parallel_loop3A_345, %parallel_loop3A_347 : vector<16xf32>
        %parallel_loop3A_349 = arith.mulf %parallel_loop3A_348, %parallel_loop3A_342 : vector<16xf32>
        %parallel_loop3A_350 = arith.constant 0.149434835 : f32
        %parallel_loop3A_351 = vector.broadcast %parallel_loop3A_350 : f32 to vector<16xf32>
        %parallel_loop3A_352 = arith.addf %parallel_loop3A_349, %parallel_loop3A_351 : vector<16xf32>
        %parallel_loop3A_353 = arith.mulf %parallel_loop3A_352, %parallel_loop3A_342 : vector<16xf32>
        %parallel_loop3A_354 = arith.constant -0.235148817 : f32
        %parallel_loop3A_355 = vector.broadcast %parallel_loop3A_354 : f32 to vector<16xf32>
        %parallel_loop3A_356 = arith.addf %parallel_loop3A_353, %parallel_loop3A_355 : vector<16xf32>
        %parallel_loop3A_357 = arith.mulf %parallel_loop3A_356, %parallel_loop3A_342 : vector<16xf32>
        %parallel_loop3A_358 = arith.constant 0.33112058 : f32
        %parallel_loop3A_359 = vector.broadcast %parallel_loop3A_358 : f32 to vector<16xf32>
        %parallel_loop3A_360 = arith.addf %parallel_loop3A_357, %parallel_loop3A_359 : vector<16xf32>
        %parallel_loop3A_361 = arith.mulf %parallel_loop3A_360, %parallel_loop3A_342 : vector<16xf32>
        %parallel_loop3A_362 = arith.constant -0.499871939 : f32
        %parallel_loop3A_363 = vector.broadcast %parallel_loop3A_362 : f32 to vector<16xf32>
        %parallel_loop3A_364 = arith.addf %parallel_loop3A_361, %parallel_loop3A_363 : vector<16xf32>
        %parallel_loop3A_365 = arith.mulf %parallel_loop3A_364, %parallel_loop3A_342 : vector<16xf32>
        %parallel_loop3A_366 = arith.constant 0.999998748 : f32
        %parallel_loop3A_367 = vector.broadcast %parallel_loop3A_366 : f32 to vector<16xf32>
        %parallel_loop3A_368 = arith.addf %parallel_loop3A_365, %parallel_loop3A_367 : vector<16xf32>
        %parallel_loop3A_369 = arith.constant 0.000000e+00 : f32
        %parallel_loop3A_370 = vector.broadcast %parallel_loop3A_369 : f32 to vector<16xf32>
        %parallel_loop3A_371 = arith.maximumf %parallel_loop3A_337, %parallel_loop3A_370 : vector<16xf32>
        %parallel_loop3A_372 = arith.mulf %parallel_loop3A_342, %parallel_loop3A_368 : vector<16xf32>
        %parallel_loop3A_373 = arith.addf %parallel_loop3A_371, %parallel_loop3A_372 : vector<16xf32>
        %parallel_loop3A_374 = arith.constant 9.99999997E-7 : f32
        %parallel_loop3A_375 = vector.broadcast %parallel_loop3A_374 : f32 to vector<16xf32>
        %parallel_loop3A_376 = arith.addf %parallel_loop3A_373, %parallel_loop3A_375 : vector<16xf32>
        %parallel_loop3A_377 = arith.addf %parallel_loop3A_262, %parallel_loop3A_319 : vector<16xf32>
        %parallel_loop3A_378 = arith.addf %parallel_loop3A_377, %parallel_loop3A_376 : vector<16xf32>
        %parallel_loop3A_379 = arith.constant 1.000000e+00 : f32
        %parallel_loop3A_380 = vector.broadcast %parallel_loop3A_379 : f32 to vector<16xf32>
        %parallel_loop3A_381 = arith.divf %parallel_loop3A_380, %parallel_loop3A_378 : vector<16xf32>
        %parallel_loop3A_382 = arith.constant 0 : i32
        %parallel_loop3A_383 = vector.broadcast %parallel_loop3A_382 : i32 to vector<16xi32>
        %parallel_loop3A_384 = arith.mulf %parallel_loop3A_262, %parallel_loop3A_381 : vector<16xf32>
        tpu.vector_store_idx %arg7[%parallel_loop3A_383, %parallel_loop3A_155, %parallel_loop3A_135, %parallel_loop3A_158, %parallel_loop3A_137], %parallel_loop3A_384 masked %parallel_loop3A_142 : memref<3x4x4x8x128xf32, #tpu.memory_space<vmem>>[vector<16xi32>, vector<16xi32>, vector<16xi32>, vector<16xi32>, vector<16xi32>], vector<16xf32>, vector<16xi1>
        %parallel_loop3A_385 = arith.constant 1 : i32
        %parallel_loop3A_386 = vector.broadcast %parallel_loop3A_385 : i32 to vector<16xi32>
        %parallel_loop3A_387 = arith.mulf %parallel_loop3A_319, %parallel_loop3A_381 : vector<16xf32>
        tpu.vector_store_idx %arg7[%parallel_loop3A_386, %parallel_loop3A_155, %parallel_loop3A_135, %parallel_loop3A_158, %parallel_loop3A_137], %parallel_loop3A_387 masked %parallel_loop3A_142 : memref<3x4x4x8x128xf32, #tpu.memory_space<vmem>>[vector<16xi32>, vector<16xi32>, vector<16xi32>, vector<16xi32>, vector<16xi32>], vector<16xf32>, vector<16xi1>
        %parallel_loop3A_388 = arith.constant 2 : i32
        %parallel_loop3A_389 = vector.broadcast %parallel_loop3A_388 : i32 to vector<16xi32>
        %parallel_loop3A_390 = arith.mulf %parallel_loop3A_376, %parallel_loop3A_381 : vector<16xf32>
        tpu.vector_store_idx %arg7[%parallel_loop3A_389, %parallel_loop3A_155, %parallel_loop3A_135, %parallel_loop3A_158, %parallel_loop3A_137], %parallel_loop3A_390 masked %parallel_loop3A_142 : memref<3x4x4x8x128xf32, #tpu.memory_space<vmem>>[vector<16xi32>, vector<16xi32>, vector<16xi32>, vector<16xi32>, vector<16xi32>], vector<16xf32>, vector<16xi1>
      } {sc.loop_unroll_factor = 4 : i64, sc.parallel_access}
    }
    %while3A_117 = arith.constant 1 : i32
    scf.for %while3A_119 = %while3A_115 to %while3A_111 step %while3A_117  : i32 {
      %sub3A = arith.constant 1 : i32
      %sub3A_120 = arith.subi %reduce_max3A_89, %sub3A : i32
      %sub3A_121 = arith.subi %sub3A_120, %while3A_119 : i32
      %parallel_loop3A_122 = arith.constant 0 : i32
      %parallel_loop3A_123 = arith.constant 32 : i32
      %parallel_loop3A_124 = arith.constant 1 : i32
      scf.for %parallel_loop3A_125 = %parallel_loop3A_122 to %parallel_loop3A_123 step %parallel_loop3A_124  : i32 {
        %parallel_loop3A_126 = arith.constant 3 : i32
        %parallel_loop3A_127 = arith.shrsi %parallel_loop3A_125, %parallel_loop3A_126 : i32
        %parallel_loop3A_128 = arith.constant 7 : i32
        %parallel_loop3A_129 = arith.andi %parallel_loop3A_125, %parallel_loop3A_128 : i32
        %parallel_loop3A_130 = arith.constant 16 : i32
        %parallel_loop3A_131 = arith.muli %parallel_loop3A_129, %parallel_loop3A_130 : i32
        %parallel_loop3A_132 = arith.constant 0 : i32
        %parallel_loop3A_133 = vector.broadcast %parallel_loop3A_132 : i32 to vector<16xi32>
        %parallel_loop3A_134 = vector.broadcast %parallel_loop3A_127 : i32 to vector<16xi32>
        %parallel_loop3A_135 = arith.addi %parallel_loop3A_133, %parallel_loop3A_134 : vector<16xi32>
        %parallel_loop3A_136 = vector.broadcast %parallel_loop3A_131 : i32 to vector<16xi32>
        %parallel_loop3A_137 = arith.addi %parallel_loop3A_136, %iota3A : vector<16xi32>
        %parallel_loop3A_138 = arith.index_cast %parallel_loop3A_125 : i32 to index
        %parallel_loop3A_139 = arith.constant 0 : index
        %parallel_loop3A_140 = tpu.vector_load %arg12[%parallel_loop3A_138, %parallel_loop3A_139] {strides = array<i32>} : memref<32x16xi32, #tpu.memory_space<vmem>>, vector<16xi32>,
        %parallel_loop3A_141 = vector.broadcast %sub3A_121 : i32 to vector<16xi32>
        %parallel_loop3A_142 = arith.cmpi slt, %parallel_loop3A_141, %parallel_loop3A_140 : vector<16xi32>
        %parallel_loop3A_143 = arith.index_cast %parallel_loop3A_125 : i32 to index
        %parallel_loop3A_144 = arith.index_cast %sub3A_121 : i32 to index
        %parallel_loop3A_145 = arith.constant 0 : index
        %parallel_loop3A_146 = tpu.vector_load %arg11[%parallel_loop3A_143, %parallel_loop3A_144, %parallel_loop3A_145] {strides = array<i32>} : memref<32x32x16xi32, #tpu.memory_space<vmem>>, vector<16xi32>,
        %parallel_loop3A_147 = arith.constant 0 : i32
        %parallel_loop3A_148 = vector.broadcast %parallel_loop3A_147 : i32 to vector<16xi32>
        %parallel_loop3A_149 = arith.maxsi %parallel_loop3A_146, %parallel_loop3A_148 : vector<16xi32>
        %parallel_loop3A_150 = arith.constant 31 : i32
        %parallel_loop3A_151 = vector.broadcast %parallel_loop3A_150 : i32 to vector<16xi32>
        %parallel_loop3A_152 = arith.minsi %parallel_loop3A_149, %parallel_loop3A_151 : vector<16xi32>
        %parallel_loop3A_153 = arith.constant 3 : i32
        %parallel_loop3A_154 = vector.broadcast %parallel_loop3A_153 : i32 to vector<16xi32>
        %parallel_loop3A_155 = arith.shrui %parallel_loop3A_152, %parallel_loop3A_154 : vector<16xi32>
        %parallel_loop3A_156 = arith.constant 7 : i32
        %parallel_loop3A_157 = vector.broadcast %parallel_loop3A_156 : i32 to vector<16xi32>
        %parallel_loop3A_158 = arith.andi %parallel_loop3A_152, %parallel_loop3A_157 : vector<16xi32>
        %parallel_loop3A_159 = tpu.vector_load_idx %arg8[%parallel_loop3A_152, %parallel_loop3A_135, %parallel_loop3A_137] : memref<32x4x128xi32, #tpu.memory_space<vmem>>[vector<16xi32>, vector<16xi32>, vector<16xi32>], vector<16xi32>,
        %parallel_loop3A_160 = tpu.vector_load_idx %arg9[%parallel_loop3A_152, %parallel_loop3A_135, %parallel_loop3A_137] : memref<32x4x128xi32, #tpu.memory_space<vmem>>[vector<16xi32>, vector<16xi32>, vector<16xi32>], vector<16xi32>,
        %parallel_loop3A_161 = arith.constant 3 : i32
        %parallel_loop3A_162 = vector.broadcast %parallel_loop3A_161 : i32 to vector<16xi32>
        %parallel_loop3A_163 = arith.shrui %parallel_loop3A_159, %parallel_loop3A_162 : vector<16xi32>
        %parallel_loop3A_164 = arith.constant 7 : i32
        %parallel_loop3A_165 = vector.broadcast %parallel_loop3A_164 : i32 to vector<16xi32>
        %parallel_loop3A_166 = arith.andi %parallel_loop3A_159, %parallel_loop3A_165 : vector<16xi32>
        %parallel_loop3A_167 = arith.constant 0 : i32
        %parallel_loop3A_168 = vector.broadcast %parallel_loop3A_167 : i32 to vector<16xi32>
        %parallel_loop3A_169 = tpu.vector_load_idx %arg7[%parallel_loop3A_168, %parallel_loop3A_155, %parallel_loop3A_135, %parallel_loop3A_158, %parallel_loop3A_137] : memref<3x4x4x8x128xf32, #tpu.memory_space<vmem>>[vector<16xi32>, vector<16xi32>, vector<16xi32>, vector<16xi32>, vector<16xi32>], vector<16xf32>,
        %parallel_loop3A_170 = arith.constant 1 : i32
        %parallel_loop3A_171 = vector.broadcast %parallel_loop3A_170 : i32 to vector<16xi32>
        %parallel_loop3A_172 = tpu.vector_load_idx %arg7[%parallel_loop3A_171, %parallel_loop3A_155, %parallel_loop3A_135, %parallel_loop3A_158, %parallel_loop3A_137] : memref<3x4x4x8x128xf32, #tpu.memory_space<vmem>>[vector<16xi32>, vector<16xi32>, vector<16xi32>, vector<16xi32>, vector<16xi32>], vector<16xf32>,
        %parallel_loop3A_173 = arith.constant 2 : i32
        %parallel_loop3A_174 = vector.broadcast %parallel_loop3A_173 : i32 to vector<16xi32>
        %parallel_loop3A_175 = tpu.vector_load_idx %arg7[%parallel_loop3A_174, %parallel_loop3A_155, %parallel_loop3A_135, %parallel_loop3A_158, %parallel_loop3A_137] : memref<3x4x4x8x128xf32, #tpu.memory_space<vmem>>[vector<16xi32>, vector<16xi32>, vector<16xi32>, vector<16xi32>, vector<16xi32>], vector<16xf32>,
        %parallel_loop3A_176 = arith.constant 0 : i32
        %parallel_loop3A_177 = vector.broadcast %parallel_loop3A_176 : i32 to vector<16xi32>
        %parallel_loop3A_178 = tpu.vector_load_idx %arg7[%parallel_loop3A_177, %parallel_loop3A_163, %parallel_loop3A_135, %parallel_loop3A_166, %parallel_loop3A_137] : memref<3x4x4x8x128xf32, #tpu.memory_space<vmem>>[vector<16xi32>, vector<16xi32>, vector<16xi32>, vector<16xi32>, vector<16xi32>], vector<16xf32>,
        %parallel_loop3A_179 = arith.constant 1 : i32
        %parallel_loop3A_180 = vector.broadcast %parallel_loop3A_179 : i32 to vector<16xi32>
        %parallel_loop3A_181 = tpu.vector_load_idx %arg7[%parallel_loop3A_180, %parallel_loop3A_163, %parallel_loop3A_135, %parallel_loop3A_166, %parallel_loop3A_137] : memref<3x4x4x8x128xf32, #tpu.memory_space<vmem>>[vector<16xi32>, vector<16xi32>, vector<16xi32>, vector<16xi32>, vector<16xi32>], vector<16xf32>,
        %parallel_loop3A_182 = arith.constant 2 : i32
        %parallel_loop3A_183 = vector.broadcast %parallel_loop3A_182 : i32 to vector<16xi32>
        %parallel_loop3A_184 = tpu.vector_load_idx %arg7[%parallel_loop3A_183, %parallel_loop3A_163, %parallel_loop3A_135, %parallel_loop3A_166, %parallel_loop3A_137] : memref<3x4x4x8x128xf32, #tpu.memory_space<vmem>>[vector<16xi32>, vector<16xi32>, vector<16xi32>, vector<16xi32>, vector<16xi32>], vector<16xf32>,
        %parallel_loop3A_185 = arith.constant 3 : i32
        %parallel_loop3A_186 = vector.broadcast %parallel_loop3A_185 : i32 to vector<16xi32>
        %parallel_loop3A_187 = arith.muli %parallel_loop3A_160, %parallel_loop3A_186 : vector<16xi32>
        %parallel_loop3A_188 = arith.constant 32 : i32
        %parallel_loop3A_189 = vector.broadcast %parallel_loop3A_188 : i32 to vector<16xi32>
        %parallel_loop3A_190 = arith.addi %parallel_loop3A_187, %parallel_loop3A_189 : vector<16xi32>
        %parallel_loop3A_191 = tpu.vector_load_idx %arg10[%parallel_loop3A_190] : memref<64xf32, #tpu.memory_space<vmem>>[vector<16xi32>], vector<16xf32>,
        %parallel_loop3A_192 = arith.constant 3 : i32
        %parallel_loop3A_193 = vector.broadcast %parallel_loop3A_192 : i32 to vector<16xi32>
        %parallel_loop3A_194 = arith.muli %parallel_loop3A_160, %parallel_loop3A_193 : vector<16xi32>
        %parallel_loop3A_195 = arith.constant 33 : i32
        %parallel_loop3A_196 = vector.broadcast %parallel_loop3A_195 : i32 to vector<16xi32>
        %parallel_loop3A_197 = arith.addi %parallel_loop3A_194, %parallel_loop3A_196 : vector<16xi32>
        %parallel_loop3A_198 = tpu.vector_load_idx %arg10[%parallel_loop3A_197] : memref<64xf32, #tpu.memory_space<vmem>>[vector<16xi32>], vector<16xf32>,
        %parallel_loop3A_199 = arith.constant 3 : i32
        %parallel_loop3A_200 = vector.broadcast %parallel_loop3A_199 : i32 to vector<16xi32>
        %parallel_loop3A_201 = arith.muli %parallel_loop3A_160, %parallel_loop3A_200 : vector<16xi32>
        %parallel_loop3A_202 = arith.constant 34 : i32
        %parallel_loop3A_203 = vector.broadcast %parallel_loop3A_202 : i32 to vector<16xi32>
        %parallel_loop3A_204 = arith.addi %parallel_loop3A_201, %parallel_loop3A_203 : vector<16xi32>
        %parallel_loop3A_205 = tpu.vector_load_idx %arg10[%parallel_loop3A_204] : memref<64xf32, #tpu.memory_space<vmem>>[vector<16xi32>], vector<16xf32>,
        %parallel_loop3A_206 = vector.broadcast %squeeze3A : f32 to vector<16xf32>
        %parallel_loop3A_207 = arith.mulf %parallel_loop3A_206, %parallel_loop3A_169 : vector<16xf32>
        %parallel_loop3A_208 = arith.addf %parallel_loop3A_191, %parallel_loop3A_207 : vector<16xf32>
        %parallel_loop3A_209 = vector.broadcast %squeeze3A_58 : f32 to vector<16xf32>
        %parallel_loop3A_210 = arith.mulf %parallel_loop3A_209, %parallel_loop3A_178 : vector<16xf32>
        %parallel_loop3A_211 = arith.addf %parallel_loop3A_208, %parallel_loop3A_210 : vector<16xf32>
        %parallel_loop3A_212 = vector.broadcast %squeeze3A_46 : f32 to vector<16xf32>
        %parallel_loop3A_213 = arith.mulf %parallel_loop3A_212, %parallel_loop3A_172 : vector<16xf32>
        %parallel_loop3A_214 = arith.addf %parallel_loop3A_211, %parallel_loop3A_213 : vector<16xf32>
        %parallel_loop3A_215 = vector.broadcast %squeeze3A_64 : f32 to vector<16xf32>
        %parallel_loop3A_216 = arith.mulf %parallel_loop3A_215, %parallel_loop3A_181 : vector<16xf32>
        %parallel_loop3A_217 = arith.addf %parallel_loop3A_214, %parallel_loop3A_216 : vector<16xf32>
        %parallel_loop3A_218 = vector.broadcast %squeeze3A_52 : f32 to vector<16xf32>
        %parallel_loop3A_219 = arith.mulf %parallel_loop3A_218, %parallel_loop3A_175 : vector<16xf32>
        %parallel_loop3A_220 = arith.addf %parallel_loop3A_217, %parallel_loop3A_219 : vector<16xf32>
        %parallel_loop3A_221 = vector.broadcast %squeeze3A_70 : f32 to vector<16xf32>
        %parallel_loop3A_222 = arith.mulf %parallel_loop3A_221, %parallel_loop3A_184 : vector<16xf32>
        %parallel_loop3A_223 = arith.addf %parallel_loop3A_220, %parallel_loop3A_222 : vector<16xf32>
        %parallel_loop3A_224 = math.absf %parallel_loop3A_223 : vector<16xf32>
        %parallel_loop3A_225 = arith.constant 0.000000e+00 : f32
        %parallel_loop3A_226 = vector.broadcast %parallel_loop3A_225 : f32 to vector<16xf32>
        %parallel_loop3A_227 = arith.subf %parallel_loop3A_226, %parallel_loop3A_224 : vector<16xf32>
        %parallel_loop3A_228 = math.exp %parallel_loop3A_227 : vector<16xf32>
        %parallel_loop3A_229 = arith.constant 0.0142028593 : f32
        %parallel_loop3A_230 = vector.broadcast %parallel_loop3A_229 : f32 to vector<16xf32>
        %parallel_loop3A_231 = arith.mulf %parallel_loop3A_230, %parallel_loop3A_228 : vector<16xf32>
        %parallel_loop3A_232 = arith.constant -0.0665882081 : f32
        %parallel_loop3A_233 = vector.broadcast %parallel_loop3A_232 : f32 to vector<16xf32>
        %parallel_loop3A_234 = arith.addf %parallel_loop3A_231, %parallel_loop3A_233 : vector<16xf32>
        %parallel_loop3A_235 = arith.mulf %parallel_loop3A_234, %parallel_loop3A_228 : vector<16xf32>
        %parallel_loop3A_236 = arith.constant 0.149434835 : f32
        %parallel_loop3A_237 = vector.broadcast %parallel_loop3A_236 : f32 to vector<16xf32>
        %parallel_loop3A_238 = arith.addf %parallel_loop3A_235, %parallel_loop3A_237 : vector<16xf32>
        %parallel_loop3A_239 = arith.mulf %parallel_loop3A_238, %parallel_loop3A_228 : vector<16xf32>
        %parallel_loop3A_240 = arith.constant -0.235148817 : f32
        %parallel_loop3A_241 = vector.broadcast %parallel_loop3A_240 : f32 to vector<16xf32>
        %parallel_loop3A_242 = arith.addf %parallel_loop3A_239, %parallel_loop3A_241 : vector<16xf32>
        %parallel_loop3A_243 = arith.mulf %parallel_loop3A_242, %parallel_loop3A_228 : vector<16xf32>
        %parallel_loop3A_244 = arith.constant 0.33112058 : f32
        %parallel_loop3A_245 = vector.broadcast %parallel_loop3A_244 : f32 to vector<16xf32>
        %parallel_loop3A_246 = arith.addf %parallel_loop3A_243, %parallel_loop3A_245 : vector<16xf32>
        %parallel_loop3A_247 = arith.mulf %parallel_loop3A_246, %parallel_loop3A_228 : vector<16xf32>
        %parallel_loop3A_248 = arith.constant -0.499871939 : f32
        %parallel_loop3A_249 = vector.broadcast %parallel_loop3A_248 : f32 to vector<16xf32>
        %parallel_loop3A_250 = arith.addf %parallel_loop3A_247, %parallel_loop3A_249 : vector<16xf32>
        %parallel_loop3A_251 = arith.mulf %parallel_loop3A_250, %parallel_loop3A_228 : vector<16xf32>
        %parallel_loop3A_252 = arith.constant 0.999998748 : f32
        %parallel_loop3A_253 = vector.broadcast %parallel_loop3A_252 : f32 to vector<16xf32>
        %parallel_loop3A_254 = arith.addf %parallel_loop3A_251, %parallel_loop3A_253 : vector<16xf32>
        %parallel_loop3A_255 = arith.constant 0.000000e+00 : f32
        %parallel_loop3A_256 = vector.broadcast %parallel_loop3A_255 : f32 to vector<16xf32>
        %parallel_loop3A_257 = arith.maximumf %parallel_loop3A_223, %parallel_loop3A_256 : vector<16xf32>
        %parallel_loop3A_258 = arith.mulf %parallel_loop3A_228, %parallel_loop3A_254 : vector<16xf32>
        %parallel_loop3A_259 = arith.addf %parallel_loop3A_257, %parallel_loop3A_258 : vector<16xf32>
        %parallel_loop3A_260 = arith.constant 9.99999997E-7 : f32
        %parallel_loop3A_261 = vector.broadcast %parallel_loop3A_260 : f32 to vector<16xf32>
        %parallel_loop3A_262 = arith.addf %parallel_loop3A_259, %parallel_loop3A_261 : vector<16xf32>
        %parallel_loop3A_263 = vector.broadcast %squeeze3A_42 : f32 to vector<16xf32>
        %parallel_loop3A_264 = arith.mulf %parallel_loop3A_263, %parallel_loop3A_169 : vector<16xf32>
        %parallel_loop3A_265 = arith.addf %parallel_loop3A_198, %parallel_loop3A_264 : vector<16xf32>
        %parallel_loop3A_266 = vector.broadcast %squeeze3A_60 : f32 to vector<16xf32>
        %parallel_loop3A_267 = arith.mulf %parallel_loop3A_266, %parallel_loop3A_178 : vector<16xf32>
        %parallel_loop3A_268 = arith.addf %parallel_loop3A_265, %parallel_loop3A_267 : vector<16xf32>
        %parallel_loop3A_269 = vector.broadcast %squeeze3A_48 : f32 to vector<16xf32>
        %parallel_loop3A_270 = arith.mulf %parallel_loop3A_269, %parallel_loop3A_172 : vector<16xf32>
        %parallel_loop3A_271 = arith.addf %parallel_loop3A_268, %parallel_loop3A_270 : vector<16xf32>
        %parallel_loop3A_272 = vector.broadcast %squeeze3A_66 : f32 to vector<16xf32>
        %parallel_loop3A_273 = arith.mulf %parallel_loop3A_272, %parallel_loop3A_181 : vector<16xf32>
        %parallel_loop3A_274 = arith.addf %parallel_loop3A_271, %parallel_loop3A_273 : vector<16xf32>
        %parallel_loop3A_275 = vector.broadcast %squeeze3A_54 : f32 to vector<16xf32>
        %parallel_loop3A_276 = arith.mulf %parallel_loop3A_275, %parallel_loop3A_175 : vector<16xf32>
        %parallel_loop3A_277 = arith.addf %parallel_loop3A_274, %parallel_loop3A_276 : vector<16xf32>
        %parallel_loop3A_278 = vector.broadcast %squeeze3A_72 : f32 to vector<16xf32>
        %parallel_loop3A_279 = arith.mulf %parallel_loop3A_278, %parallel_loop3A_184 : vector<16xf32>
        %parallel_loop3A_280 = arith.addf %parallel_loop3A_277, %parallel_loop3A_279 : vector<16xf32>
        %parallel_loop3A_281 = math.absf %parallel_loop3A_280 : vector<16xf32>
        %parallel_loop3A_282 = arith.constant 0.000000e+00 : f32
        %parallel_loop3A_283 = vector.broadcast %parallel_loop3A_282 : f32 to vector<16xf32>
        %parallel_loop3A_284 = arith.subf %parallel_loop3A_283, %parallel_loop3A_281 : vector<16xf32>
        %parallel_loop3A_285 = math.exp %parallel_loop3A_284 : vector<16xf32>
        %parallel_loop3A_286 = arith.constant 0.0142028593 : f32
        %parallel_loop3A_287 = vector.broadcast %parallel_loop3A_286 : f32 to vector<16xf32>
        %parallel_loop3A_288 = arith.mulf %parallel_loop3A_287, %parallel_loop3A_285 : vector<16xf32>
        %parallel_loop3A_289 = arith.constant -0.0665882081 : f32
        %parallel_loop3A_290 = vector.broadcast %parallel_loop3A_289 : f32 to vector<16xf32>
        %parallel_loop3A_291 = arith.addf %parallel_loop3A_288, %parallel_loop3A_290 : vector<16xf32>
        %parallel_loop3A_292 = arith.mulf %parallel_loop3A_291, %parallel_loop3A_285 : vector<16xf32>
        %parallel_loop3A_293 = arith.constant 0.149434835 : f32
        %parallel_loop3A_294 = vector.broadcast %parallel_loop3A_293 : f32 to vector<16xf32>
        %parallel_loop3A_295 = arith.addf %parallel_loop3A_292, %parallel_loop3A_294 : vector<16xf32>
        %parallel_loop3A_296 = arith.mulf %parallel_loop3A_295, %parallel_loop3A_285 : vector<16xf32>
        %parallel_loop3A_297 = arith.constant -0.235148817 : f32
        %parallel_loop3A_298 = vector.broadcast %parallel_loop3A_297 : f32 to vector<16xf32>
        %parallel_loop3A_299 = arith.addf %parallel_loop3A_296, %parallel_loop3A_298 : vector<16xf32>
        %parallel_loop3A_300 = arith.mulf %parallel_loop3A_299, %parallel_loop3A_285 : vector<16xf32>
        %parallel_loop3A_301 = arith.constant 0.33112058 : f32
        %parallel_loop3A_302 = vector.broadcast %parallel_loop3A_301 : f32 to vector<16xf32>
        %parallel_loop3A_303 = arith.addf %parallel_loop3A_300, %parallel_loop3A_302 : vector<16xf32>
        %parallel_loop3A_304 = arith.mulf %parallel_loop3A_303, %parallel_loop3A_285 : vector<16xf32>
        %parallel_loop3A_305 = arith.constant -0.499871939 : f32
        %parallel_loop3A_306 = vector.broadcast %parallel_loop3A_305 : f32 to vector<16xf32>
        %parallel_loop3A_307 = arith.addf %parallel_loop3A_304, %parallel_loop3A_306 : vector<16xf32>
        %parallel_loop3A_308 = arith.mulf %parallel_loop3A_307, %parallel_loop3A_285 : vector<16xf32>
        %parallel_loop3A_309 = arith.constant 0.999998748 : f32
        %parallel_loop3A_310 = vector.broadcast %parallel_loop3A_309 : f32 to vector<16xf32>
        %parallel_loop3A_311 = arith.addf %parallel_loop3A_308, %parallel_loop3A_310 : vector<16xf32>
        %parallel_loop3A_312 = arith.constant 0.000000e+00 : f32
        %parallel_loop3A_313 = vector.broadcast %parallel_loop3A_312 : f32 to vector<16xf32>
        %parallel_loop3A_314 = arith.maximumf %parallel_loop3A_280, %parallel_loop3A_313 : vector<16xf32>
        %parallel_loop3A_315 = arith.mulf %parallel_loop3A_285, %parallel_loop3A_311 : vector<16xf32>
        %parallel_loop3A_316 = arith.addf %parallel_loop3A_314, %parallel_loop3A_315 : vector<16xf32>
        %parallel_loop3A_317 = arith.constant 9.99999997E-7 : f32
        %parallel_loop3A_318 = vector.broadcast %parallel_loop3A_317 : f32 to vector<16xf32>
        %parallel_loop3A_319 = arith.addf %parallel_loop3A_316, %parallel_loop3A_318 : vector<16xf32>
        %parallel_loop3A_320 = vector.broadcast %squeeze3A_44 : f32 to vector<16xf32>
        %parallel_loop3A_321 = arith.mulf %parallel_loop3A_320, %parallel_loop3A_169 : vector<16xf32>
        %parallel_loop3A_322 = arith.addf %parallel_loop3A_205, %parallel_loop3A_321 : vector<16xf32>
        %parallel_loop3A_323 = vector.broadcast %squeeze3A_62 : f32 to vector<16xf32>
        %parallel_loop3A_324 = arith.mulf %parallel_loop3A_323, %parallel_loop3A_178 : vector<16xf32>
        %parallel_loop3A_325 = arith.addf %parallel_loop3A_322, %parallel_loop3A_324 : vector<16xf32>
        %parallel_loop3A_326 = vector.broadcast %squeeze3A_50 : f32 to vector<16xf32>
        %parallel_loop3A_327 = arith.mulf %parallel_loop3A_326, %parallel_loop3A_172 : vector<16xf32>
        %parallel_loop3A_328 = arith.addf %parallel_loop3A_325, %parallel_loop3A_327 : vector<16xf32>
        %parallel_loop3A_329 = vector.broadcast %squeeze3A_68 : f32 to vector<16xf32>
        %parallel_loop3A_330 = arith.mulf %parallel_loop3A_329, %parallel_loop3A_181 : vector<16xf32>
        %parallel_loop3A_331 = arith.addf %parallel_loop3A_328, %parallel_loop3A_330 : vector<16xf32>
        %parallel_loop3A_332 = vector.broadcast %squeeze3A_56 : f32 to vector<16xf32>
        %parallel_loop3A_333 = arith.mulf %parallel_loop3A_332, %parallel_loop3A_175 : vector<16xf32>
        %parallel_loop3A_334 = arith.addf %parallel_loop3A_331, %parallel_loop3A_333 : vector<16xf32>
        %parallel_loop3A_335 = vector.broadcast %squeeze3A_74 : f32 to vector<16xf32>
        %parallel_loop3A_336 = arith.mulf %parallel_loop3A_335, %parallel_loop3A_184 : vector<16xf32>
        %parallel_loop3A_337 = arith.addf %parallel_loop3A_334, %parallel_loop3A_336 : vector<16xf32>
        %parallel_loop3A_338 = math.absf %parallel_loop3A_337 : vector<16xf32>
        %parallel_loop3A_339 = arith.constant 0.000000e+00 : f32
        %parallel_loop3A_340 = vector.broadcast %parallel_loop3A_339 : f32 to vector<16xf32>
        %parallel_loop3A_341 = arith.subf %parallel_loop3A_340, %parallel_loop3A_338 : vector<16xf32>
        %parallel_loop3A_342 = math.exp %parallel_loop3A_341 : vector<16xf32>
        %parallel_loop3A_343 = arith.constant 0.0142028593 : f32
        %parallel_loop3A_344 = vector.broadcast %parallel_loop3A_343 : f32 to vector<16xf32>
        %parallel_loop3A_345 = arith.mulf %parallel_loop3A_344, %parallel_loop3A_342 : vector<16xf32>
        %parallel_loop3A_346 = arith.constant -0.0665882081 : f32
        %parallel_loop3A_347 = vector.broadcast %parallel_loop3A_346 : f32 to vector<16xf32>
        %parallel_loop3A_348 = arith.addf %parallel_loop3A_345, %parallel_loop3A_347 : vector<16xf32>
        %parallel_loop3A_349 = arith.mulf %parallel_loop3A_348, %parallel_loop3A_342 : vector<16xf32>
        %parallel_loop3A_350 = arith.constant 0.149434835 : f32
        %parallel_loop3A_351 = vector.broadcast %parallel_loop3A_350 : f32 to vector<16xf32>
        %parallel_loop3A_352 = arith.addf %parallel_loop3A_349, %parallel_loop3A_351 : vector<16xf32>
        %parallel_loop3A_353 = arith.mulf %parallel_loop3A_352, %parallel_loop3A_342 : vector<16xf32>
        %parallel_loop3A_354 = arith.constant -0.235148817 : f32
        %parallel_loop3A_355 = vector.broadcast %parallel_loop3A_354 : f32 to vector<16xf32>
        %parallel_loop3A_356 = arith.addf %parallel_loop3A_353, %parallel_loop3A_355 : vector<16xf32>
        %parallel_loop3A_357 = arith.mulf %parallel_loop3A_356, %parallel_loop3A_342 : vector<16xf32>
        %parallel_loop3A_358 = arith.constant 0.33112058 : f32
        %parallel_loop3A_359 = vector.broadcast %parallel_loop3A_358 : f32 to vector<16xf32>
        %parallel_loop3A_360 = arith.addf %parallel_loop3A_357, %parallel_loop3A_359 : vector<16xf32>
        %parallel_loop3A_361 = arith.mulf %parallel_loop3A_360, %parallel_loop3A_342 : vector<16xf32>
        %parallel_loop3A_362 = arith.constant -0.499871939 : f32
        %parallel_loop3A_363 = vector.broadcast %parallel_loop3A_362 : f32 to vector<16xf32>
        %parallel_loop3A_364 = arith.addf %parallel_loop3A_361, %parallel_loop3A_363 : vector<16xf32>
        %parallel_loop3A_365 = arith.mulf %parallel_loop3A_364, %parallel_loop3A_342 : vector<16xf32>
        %parallel_loop3A_366 = arith.constant 0.999998748 : f32
        %parallel_loop3A_367 = vector.broadcast %parallel_loop3A_366 : f32 to vector<16xf32>
        %parallel_loop3A_368 = arith.addf %parallel_loop3A_365, %parallel_loop3A_367 : vector<16xf32>
        %parallel_loop3A_369 = arith.constant 0.000000e+00 : f32
        %parallel_loop3A_370 = vector.broadcast %parallel_loop3A_369 : f32 to vector<16xf32>
        %parallel_loop3A_371 = arith.maximumf %parallel_loop3A_337, %parallel_loop3A_370 : vector<16xf32>
        %parallel_loop3A_372 = arith.mulf %parallel_loop3A_342, %parallel_loop3A_368 : vector<16xf32>
        %parallel_loop3A_373 = arith.addf %parallel_loop3A_371, %parallel_loop3A_372 : vector<16xf32>
        %parallel_loop3A_374 = arith.constant 9.99999997E-7 : f32
        %parallel_loop3A_375 = vector.broadcast %parallel_loop3A_374 : f32 to vector<16xf32>
        %parallel_loop3A_376 = arith.addf %parallel_loop3A_373, %parallel_loop3A_375 : vector<16xf32>
        %parallel_loop3A_377 = arith.addf %parallel_loop3A_262, %parallel_loop3A_319 : vector<16xf32>
        %parallel_loop3A_378 = arith.addf %parallel_loop3A_377, %parallel_loop3A_376 : vector<16xf32>
        %parallel_loop3A_379 = arith.constant 1.000000e+00 : f32
        %parallel_loop3A_380 = vector.broadcast %parallel_loop3A_379 : f32 to vector<16xf32>
        %parallel_loop3A_381 = arith.divf %parallel_loop3A_380, %parallel_loop3A_378 : vector<16xf32>
        %parallel_loop3A_382 = arith.constant 0 : i32
        %parallel_loop3A_383 = vector.broadcast %parallel_loop3A_382 : i32 to vector<16xi32>
        %parallel_loop3A_384 = arith.mulf %parallel_loop3A_262, %parallel_loop3A_381 : vector<16xf32>
        tpu.vector_store_idx %arg7[%parallel_loop3A_383, %parallel_loop3A_155, %parallel_loop3A_135, %parallel_loop3A_158, %parallel_loop3A_137], %parallel_loop3A_384 masked %parallel_loop3A_142 : memref<3x4x4x8x128xf32, #tpu.memory_space<vmem>>[vector<16xi32>, vector<16xi32>, vector<16xi32>, vector<16xi32>, vector<16xi32>], vector<16xf32>, vector<16xi1>
        %parallel_loop3A_385 = arith.constant 1 : i32
        %parallel_loop3A_386 = vector.broadcast %parallel_loop3A_385 : i32 to vector<16xi32>
        %parallel_loop3A_387 = arith.mulf %parallel_loop3A_319, %parallel_loop3A_381 : vector<16xf32>
        tpu.vector_store_idx %arg7[%parallel_loop3A_386, %parallel_loop3A_155, %parallel_loop3A_135, %parallel_loop3A_158, %parallel_loop3A_137], %parallel_loop3A_387 masked %parallel_loop3A_142 : memref<3x4x4x8x128xf32, #tpu.memory_space<vmem>>[vector<16xi32>, vector<16xi32>, vector<16xi32>, vector<16xi32>, vector<16xi32>], vector<16xf32>, vector<16xi1>
        %parallel_loop3A_388 = arith.constant 2 : i32
        %parallel_loop3A_389 = vector.broadcast %parallel_loop3A_388 : i32 to vector<16xi32>
        %parallel_loop3A_390 = arith.mulf %parallel_loop3A_376, %parallel_loop3A_381 : vector<16xf32>
        tpu.vector_store_idx %arg7[%parallel_loop3A_389, %parallel_loop3A_155, %parallel_loop3A_135, %parallel_loop3A_158, %parallel_loop3A_137], %parallel_loop3A_390 masked %parallel_loop3A_142 : memref<3x4x4x8x128xf32, #tpu.memory_space<vmem>>[vector<16xi32>, vector<16xi32>, vector<16xi32>, vector<16xi32>, vector<16xi32>], vector<16xf32>, vector<16xi1>
      } {sc.loop_unroll_factor = 4 : i64, sc.parallel_access}
    }
    %run_scoped3A = arith.constant 3 : i32
    %run_scoped3A_118 = arith.constant 7 : i32
    "tpu.region"() ({
      %run_scoped3A_119 = tpu.sem_alloc : memref<!tpu.dma_semaphore, #tpu.memory_space<semaphore_mem>>
      %dma_start3A_120 = arith.constant 0 : i32
      %dma_start3A_121 = arith.constant 0 : i32
      %dma_start3A_122 = arith.constant 0 : i32
      %dma_start3A_123 = tpu.memref_slice %arg7[%dma_start3A_120, %run_scoped3A, %dma_start3A_121, %run_scoped3A_118, %dma_start3A_122] : memref<3x4x4x8x128xf32, #tpu.memory_space<vmem>> -> memref<3x1x4x1x128xf32, #tpu.memory_space<vmem>>
      %dma_start3A_124 = tpu.memref_squeeze %dma_start3A_123 : memref<3x1x4x1x128xf32, #tpu.memory_space<vmem>> -> memref<3x4x128xf32, #tpu.memory_space<vmem>>
      %dma_start3A_125 = arith.constant 0 : i32
      %dma_start3A_126 = arith.constant 0 : i32
      %dma_start3A_127 = tpu.memref_slice %arg6[%dma_start3A_125, %mul3A_2, %dma_start3A_126] : memref<3x128x128xf32, #tpu.memory_space<hbm>> -> memref<3x4x128xf32, #tpu.memory_space<hbm>>
      %dma_start3A_128 = arith.constant 0 : i32
      %dma_start3A_129 = arith.constant 0 : i32
      %dma_start3A_130 = tpu.memref_slice %arg6[%dma_start3A_128, %mul3A_2, %dma_start3A_129] : memref<3x128x128xf32, #tpu.memory_space<hbm>> -> memref<3x4x128xf32, #tpu.memory_space<hbm>>
      %dma_start3A_131 = arith.constant 0 : i32
      %dma_start3A_132 = arith.constant 0 : i32
      %dma_start3A_133 = arith.constant 0 : i32
      %dma_start3A_134 = tpu.memref_slice %arg7[%dma_start3A_131, %run_scoped3A, %dma_start3A_132, %run_scoped3A_118, %dma_start3A_133] : memref<3x4x4x8x128xf32, #tpu.memory_space<vmem>> -> memref<3x1x4x1x128xf32, #tpu.memory_space<vmem>>
      %dma_start3A_135 = tpu.memref_squeeze %dma_start3A_134 : memref<3x1x4x1x128xf32, #tpu.memory_space<vmem>> -> memref<3x4x128xf32, #tpu.memory_space<vmem>>
      tpu.enqueue_dma source(%dma_start3A_135 : memref<3x4x128xf32, #tpu.memory_space<vmem>>) target(%dma_start3A_130 : memref<3x4x128xf32, #tpu.memory_space<hbm>>) target_semaphore(%run_scoped3A_119 : memref<!tpu.dma_semaphore, #tpu.memory_space<semaphore_mem>>)
      %dma_wait3A_136 = arith.constant 0 : i32
      %dma_wait3A_137 = arith.constant 0 : i32
      %dma_wait3A_138 = arith.constant 0 : i32
      %dma_wait3A_139 = tpu.memref_slice %arg7[%dma_wait3A_136, %run_scoped3A, %dma_wait3A_137, %run_scoped3A_118, %dma_wait3A_138] : memref<3x4x4x8x128xf32, #tpu.memory_space<vmem>> -> memref<3x1x4x1x128xf32, #tpu.memory_space<vmem>>
      %dma_wait3A_140 = tpu.memref_squeeze %dma_wait3A_139 : memref<3x1x4x1x128xf32, #tpu.memory_space<vmem>> -> memref<3x4x128xf32, #tpu.memory_space<vmem>>
      %dma_wait3A_141 = arith.constant 0 : i32
      %dma_wait3A_142 = arith.constant 0 : i32
      %dma_wait3A_143 = tpu.memref_slice %arg6[%dma_wait3A_141, %mul3A_2, %dma_wait3A_142] : memref<3x128x128xf32, #tpu.memory_space<hbm>> -> memref<3x4x128xf32, #tpu.memory_space<hbm>>
      %dma_wait3A_144 = arith.constant 0 : i32
      %dma_wait3A_145 = arith.constant 0 : i32
      %dma_wait3A_146 = tpu.memref_slice %arg6[%dma_wait3A_144, %mul3A_2, %dma_wait3A_145] : memref<3x128x128xf32, #tpu.memory_space<hbm>> -> memref<3x4x128xf32, #tpu.memory_space<hbm>>
      %dma_wait3A_147 = arith.constant 0 : i32
      %dma_wait3A_148 = arith.constant 0 : i32
      %dma_wait3A_149 = arith.constant 0 : i32
      %dma_wait3A_150 = tpu.memref_slice %arg7[%dma_wait3A_147, %run_scoped3A, %dma_wait3A_148, %run_scoped3A_118, %dma_wait3A_149] : memref<3x4x4x8x128xf32, #tpu.memory_space<vmem>> -> memref<3x1x4x1x128xf32, #tpu.memory_space<vmem>>
      %dma_wait3A_151 = tpu.memref_squeeze %dma_wait3A_150 : memref<3x1x4x1x128xf32, #tpu.memory_space<vmem>> -> memref<3x4x128xf32, #tpu.memory_space<vmem>>
      tpu.wait_dma2 semaphore(%run_scoped3A_119 : memref<!tpu.dma_semaphore, #tpu.memory_space<semaphore_mem>>) src(%dma_wait3A_151 : memref<3x4x128xf32, #tpu.memory_space<vmem>>) dst(%dma_wait3A_146 : memref<3x4x128xf32, #tpu.memory_space<hbm>>)
      tpu.yield
    }) : () -> ()
    return
  }
}

</mosaic_0001>

<sc_bundles>
// kernel: _run.3.cloned.1.call-start
scs
__scs_entry_jumppad:
0x0: {  	(pc) =	sbr.rel $0x88, $3  }
0x1: {  	(tag) =	ssettag $0x0;
	lr =	simm.s32 $0x1  }
0x2: {  	[smem:$0x3F9D] =	sst lr;
	_ =	strace $0xD0000000  }
0x3: {  	_ = 	snop  }
0x4: {  	_ = 	snop  }
0x5: {  	_ = 	snop  }
0x6: {  	_ = 	snop  }
0x7: {  	_ = 	snop  }
__scs_overlays_trampoline_lowered:
0x8: {  	[smem:$0x3FAC] =	sst s0  }
0x9: {  	[smem:$0x3FAD] =	sst s1  }
0xa: {  	[smem:$0x3FAE] =	sst s2  }
0xb: {  	[smem:$0x3FAF] =	sst s3  }
0xc: {  	[smem:$0x3FB0] =	sst s4  }
0xd: {  	[smem:$0x3FB1] =	sst s5  }
0xe: {  	[smem:$0x3FB2] =	sst s6  }
0xf: {  	[smem:$0x3FB3] =	sst s7  }
0x10: {  	[smem:$0x3FB4] =	sst s8  }
0x11: {  	[smem:$0x3FB5] =	sst s9;
	s0 =	simm.s32 @!p0 $0x0  }
0x12: {  	s1 =	sld [smem:$0x3F9B];
	s0 =	simm.s32 @p0 $0x1  }
0x13: {  	[smem:$0x3FB6] =	sst s0;
	s0 =	simm.s32 @!p1 $0x0  }
0x14: {  	s2 =	sld [smem:$0x3F9A];
	s0 =	simm.s32 @p1 $0x1  }
0x15: {  	[smem:$0x3FB7] =	sst s0;
	s0 =	simm.s32 @!p2 $0x0  }
0x16: {  	s3 =	sld [smem:$0x3FDB];
	s0 =	simm.s32 @p2 $0x1  }
0x17: {  	s4 =	simm.s32 $0x1BF5;
	[smem:$0x3FB9] =	sst s0  }
0x18: {  	s0 =	sld [smem:$0x3F9C];
	_ =	swait.ge [sflag:s4], $0x0  }
0x19: {  	s7 =	sld [smem:$0x3F9D]  }
0x1a: {  	s8 =	sadd.s32 $0xFFFFE003, lr  }
0x1b: {  	s9 =	sadd.s32 $0xFFFFFEF7, lr;
	s5 =	simm.s32 $0xFFFFFFFF;
	p2 =	slt.u32 s8, $0xFFFFF086  }
0x1c: {  	p1 =	slt.u32 s9, $0xF7A;
	s5 =	simm.s32 @!p2 $0x0  }
0x1d: {  	s5 =	simm.s32 @p1 $0x1;
	p0 =	seq.s32 s7, s2  }
0x1e: {  	s7 =	smul.u32 @!p0 $0xF7A, s2;
	p2 =	seq.s32 @!p0 s5, $0x0  }
0x1f: {  	s9 =	smul.u32 $0xF7A, s1;
	s8 =	simm.s32 @!p0 $0x1BF5;
	p2 =	por !p2, p0  }
0x20: {  	[sflag:s8] =	ssyncset.s32 @!p0 $0xFFFFF086;
	s6 =	sadd.s32 @!p0 s3, s7;
	s7 =	simm.s32 @!p0 $0x108  }
0x21: {  	s3 =	sadd.s32 s3, s9;
	s6 =	sadd.s32 @!p0 $0x88, s6;
	s7 =	simm.s32 @p2 $0x1082  }
0x22: {  	[simem:s7], [sflag:s8] =	dma.local @!p0 [hbm:s6], $0xF7A  }
0x23: {  	s9 =	sor.u32 $0xD0000000, s2;
	s6 =	simm.s32 $0x108;
	_ =	swait.ge @!p0 [sflag:s8], $0x0  }
0x24: {  	s3 =	sadd.s32 $0x88, s3;
	s6 =	simm.s32 @!p1 $0x1082;
	[sflag:s4] =	ssyncset.s32 $0xFFFFF086  }
0x25: {  	[simem:s6], [sflag:s4] =	dma.local [hbm:s3], $0xF7A  }
0x26: {  	[smem:$0x3F9D] =	sst s1;
	(tag) =	ssettag s2;
	_ =	strace s9  }
0x27: {  	s1 =	sld [smem:$0x3FAD]  }
0x28: {  	s2 =	sld [smem:$0x3FAE]  }
0x29: {  	s4 =	sld [smem:$0x3FB0]  }
0x2a: {  	p0 =	seq.s32 s5, $0x0;
	s5 =	sld [smem:$0x3FB1]  }
0x2b: {  	s6 =	sld [smem:$0x3FB2]  }
0x2c: {  	s7 =	sld [smem:$0x3FB3]  }
0x2d: {  	s3 =	simm.s32 $0x108;
	s8 =	sld [smem:$0x3FB4]  }
0x2e: {  	s3 =	simm.s32 @!p0 $0x1082;
	s9 =	sld [smem:$0x3FB5]  }
0x2f: {  	lr =	sadd.s32 s0, s3;
	s0 =	sld [smem:$0x3FAC]  }
0x30: {  	s3 =	sld [smem:$0x3FAF]  }
0x31: {  	[smem:$0x3FB8] =	sst s10  }
0x32: {  	s10 =	sld [smem:$0x3FB6];
	_ =	sdelay $0x3  }
0x33: {  	p0 =	seq.s32 s10, $0x1;
	s10 =	sld [smem:$0x3FB8];
	_ =	sdelay $0x3  }
0x34: {  	[smem:$0x3FB8] =	sst s10  }
0x35: {  	s10 =	sld [smem:$0x3FB7];
	_ =	sdelay $0x3  }
0x36: {  	p1 =	seq.s32 s10, $0x1;
	s10 =	sld [smem:$0x3FB8];
	_ =	sdelay $0x3  }
0x37: {  	[smem:$0x3FB8] =	sst s10  }
0x38: {  	s10 =	sld [smem:$0x3FB9]  }
0x39: {  	_ = 	snop;
	(pc) =	sbr.ind lr, $3  }
0x3a: {  	_ = 	snop  }
0x3b: {  	_ = 	snop  }
0x3c: {  	p2 =	seq.s32 s10, $0x1;
	s10 =	sld [smem:$0x3FB8]  }
0x3d: {  	_ =	shalt  }
0x3e: {  	_ =	shalt  }
0x3f: {  	_ =	shalt  }
0x40: {  	_ =	shalt  }
0x41: {  	_ =	shalt  }
0x42: {  	_ =	shalt  }
0x43: {  	_ =	shalt  }
0x44: {  	_ =	shalt  }
0x45: {  	_ =	shalt  }
0x46: {  	_ =	shalt  }
0x47: {  	_ =	shalt  }
0x48: {  	_ =	shalt  }
0x49: {  	_ =	shalt  }
0x4a: {  	_ =	shalt  }
0x4b: {  	_ =	shalt  }
0x4c: {  	_ =	shalt  }
0x4d: {  	_ =	shalt  }
0x4e: {  	_ =	shalt  }
0x4f: {  	_ =	shalt  }
0x50: {  	_ =	shalt  }
0x51: {  	_ =	shalt  }
0x52: {  	_ =	shalt  }
0x53: {  	_ =	shalt  }
0x54: {  	_ =	shalt  }
0x55: {  	_ =	shalt  }
0x56: {  	_ =	shalt  }
0x57: {  	_ =	shalt  }
0x58: {  	_ =	shalt  }
0x59: {  	_ =	shalt  }
0x5a: {  	_ =	shalt  }
0x5b: {  	_ =	shalt  }
0x5c: {  	_ =	shalt  }
0x5d: {  	_ =	shalt  }
0x5e: {  	_ =	shalt  }
0x5f: {  	_ =	shalt  }
0x60: {  	_ =	shalt  }
0x61: {  	_ =	shalt  }
0x62: {  	_ =	shalt  }
0x63: {  	_ =	shalt  }
0x64: {  	_ =	shalt  }
0x65: {  	_ =	shalt  }
0x66: {  	_ =	shalt  }
0x67: {  	_ =	shalt  }
0x68: {  	_ =	shalt  }
0x69: {  	_ =	shalt  }
0x6a: {  	_ =	shalt  }
0x6b: {  	_ =	shalt  }
0x6c: {  	_ =	shalt  }
0x6d: {  	_ =	shalt  }
0x6e: {  	_ =	shalt  }
0x6f: {  	_ =	shalt  }
0x70: {  	_ =	shalt  }
0x71: {  	_ =	shalt  }
0x72: {  	_ =	shalt  }
0x73: {  	_ =	shalt  }
0x74: {  	_ =	shalt  }
0x75: {  	_ =	shalt  }
0x76: {  	_ =	shalt  }
0x77: {  	_ =	shalt  }
0x78: {  	_ =	shalt  }
0x79: {  	_ =	shalt  }
0x7a: {  	_ =	shalt  }
0x7b: {  	_ =	shalt  }
0x7c: {  	_ =	shalt  }
0x7d: {  	_ =	shalt  }
0x7e: {  	_ =	shalt  }
0x7f: {  	_ =	shalt  }
0x80: {  	_ =	shalt  }
0x81: {  	_ =	shalt  }
0x82: {  	_ =	shalt  }
0x83: {  	_ =	shalt  }
0x84: {  	_ =	shalt  }
0x85: {  	_ =	shalt  }
0x86: {  	_ =	shalt  }
0x87: {  	_ =	shalt  }
.Lfunc_end0:
.L_simem_size_0:
called_computation_lowered:
.L_overlay_start_0:
0x88: {  	s2 =	sld [smem:$0x3FD9]  }
0x89: {  	s3 =	sld [smem:$0x3FFE];
	_ =	sdelay $0x1  }
0x8a: {  	s1 =	srdreg.scid  }
0x8b: {  	s0 =	sand.u32 $0x1, s1  }
0x8c: {  	s18 =	sshll.u32 s0, $0xA;
	s2 =	sadd.s32 s3, s2  }
0x8d: {  	s2 =	sadd.s32 s2, s18  }
0x8e: {  	[smem:$0x3FC4] =	sst s2  }
0x8f: {  	_ = 	snop  }
0x90: {  	s2 =	sld [smem:$0x3FC9]  }
0x91: {  	s19 =	sld [smem:$0x3FC8]  }
0x92: {  	s4 =	sld [smem:$0x3FC7]  }
0x93: {  	s5 =	sld [smem:$0x3FC6]  }
0x94: {  	s6 =	sld [smem:$0x3FD0];
	(tm) =	ssettm $0x1  }
0x95: {  	s7 =	sld [smem:$0x3FFB];
	_ =	sdelay $0x3  }
0x96: {  	_ =	strace s7  }
0x97: {  	s7 =	sld [smem:$0x3FFC];
	_ =	sdelay $0x3  }
0x98: {  	_ =	strace s7  }
0x99: {  	s7 =	sld [smem:$0x3FFD];
	_ =	sdelay $0x3  }
0x9a: {  	_ =	strace s7  }
0x9b: {  	_ =	strace $0x8FFFFFFF  }
0x9c: {  	s20 =	sld [smem:$0x3FDB];
	_ =	sdelay $0x1  }
0x9d: {  	s8 =	simm.s32 $_scs_section_size  }
0x9e: {  	s9 =	simm.s32 $_size__tile_overlayer_lowered;
	s10 =	simm.s32 $_tile_overlayer_lowered  }
0x9f: {  	s23 =	simm.s32 $0x1BFF;
	s22 =	sshll.u32 s10, $0x1;
	s7 =	sadd.s32 s8, s20  }
0xa0: {  	s11 =	simm.s32 $0x0;
	s21 =	sshll.u32 s9, $0x1;
	s9 =	sadd.s32 s22, s7  }
0xa1: {  	[timem:s11], [sflag:s23] =	dma.local [hbm:s9], s21  }
0xa2: {  	_ =	swait.ge [sflag:s23], s21  }
0xa3: {  	s8 =	ssub.s32 $0x0, s21;
	[sflag:s23] =	ssyncset.done $0x0  }
0xa4: {  	[sflag:s23] =	ssyncadd.s32 s8;
	_ =	sdelay $0x1  }
0xa5: {  	s24 =	simm.s32 $0x1B8B  }
0xa6: {  	_ =	swait.ge [sflag:s24], $0x1  }
0xa7: {  	[sflag:s24] =	ssyncset.done $0x0  }
0xa8: {  	s25 =	simm.s32 $0x1B8E;
	[sflag:s24] =	ssyncadd.s32 $0xFFFFFFFF  }
0xa9: {  	s26 =	simm.s32 $execute0_lowered;
	[smem:$0x3FD2] =	sst s25  }
0xaa: {  	s8 =	sshll.u32 s26, $0x1;
	_ =	strace $0x80000046;
	[dreg:$0x1] =	wrdreg $0xFFFFFFFF  }
0xab: {  	s28 =	simm.s32 $_size_execute0_lowered;
	s7 =	sadd.s32 s7, s8;
	[dreg:$0x0] =	wrdreg $0x0  }
0xac: {  	s8 =	sshll.u32 s28, $0x1;
	[dreg:$0x2] =	wrdreg s7  }
0xad: {  	[dreg:$0x3] =	wrdreg s8  }
0xae: {  	[dreg:$0x4] =	wrdreg $0xC0  }
0xaf: {  	_ =	task [dreg:s11], $0x5FFFF  }
0xb0: {  	[dreg:$0x1] =	wrdreg $0xFFFFFFFF  }
0xb1: {  	[dreg:$0x0] =	wrdreg $0x60  }
0xb2: {  	[dreg:$0x2] =	wrdreg s2  }
0xb3: {  	[dreg:$0x3] =	wrdreg s19  }
0xb4: {  	[dreg:$0x4] =	wrdreg s4  }
0xb5: {  	[dreg:$0x5] =	wrdreg s5  }
0xb6: {  	[dreg:$0x6] =	wrdreg s6  }
0xb7: {  	[dreg:$0x7] =	wrdreg $0x9  }
0xb8: {  	_ =	task.clear_ibuf [dreg:s11], $0x8FFFF;
	_ =	strace $0x90000046  }
0xb9: {  	s29 =	simm.s32 $0x9;
	_ =	strace $0x80000048  }
0xba: {  	_ =	swait.ge [sflag:s29], $0x1  }
0xbb: {  	[sflag:s29] =	ssyncadd.s32 $0xFFFFFFFF  }
0xbc: {  	_ =	strace $0x90000048  }
0xbd: {  	_ =	sfence  }
0xbe: {  	s30 =	sld [smem:$0x0];
	_ =	sdelay $0x2  }
0xbf: {  	s31 =	sshll.u32 s1, $0xD;
	s1 =	sshrl.u32 s1, $0x2  }
0xc0: {  	s3 =	sand.u32 $0x4000, s31;
	s1 =	sadd.s32 s1, s30  }
0xc1: {  	s0 =	sor.u32 s3, s0;
	s1 =	sshll.u32 s1, $0x11  }
0xc2: {  	s0 =	sor.u32 s1, s0  }
0xc3: {  	s0 =	sadd.s32 $0x8F2B, s0  }
0xc4: {  	[sflag:s0] =	ssyncadd.remote.s32 $0x1  }
0xc5: {  	_ =	sfence.sel $0xFFFF  }
0xc6: {  	[dreg:$0x0] =	wrdreg $0xFFFFFFFF;
	(pc) =	sbr.abs _section_cstart, $3  }
0xc7: {  	[dreg:$0x1] =	wrdreg $0xFFFFFFFF  }
0xc8: {  	_ =	task.clear_ibuf [dreg:s11], $0x2FFFF;
	_ =	strace $0x9FFFFFFF  }
0xc9: {  	(tm) =	ssettm $0x7FFFFFFF  }
tec
execute0_lowered:
.L_overlay_start_1:
0x0: {  	(tag) =	ssettag $0x1  }
0x1: {  	s0 =	rddreg [dreg:$0x0]  }
0x2: {  	s1 =	rddreg [dreg:$0x1]  }
0x3: {  	s3 =	rddreg [dreg:$0x2];
	s2 =	simm.s32 $0x0  }
0x4: {  	[smem:$0x7FF] =	sst s2  }
0x5: {  	s7 =	rddreg [dreg:$0x4];
	v0 =	vimm.f32 $1.000000000e+00;
	_ =	strace $0x80000047  }
0x6: {  	(xrf0) =	vmax.scan.msk.f32 $0xffff, v0;
	_ =	sdelay $0x5  }
0x7: {  	v0, _, _ =	vpop (xrf0)  }
0x8: {  	(v2sf) =	vpush v0, $0xF;
	_ =	sdelay $0x5  }
0x9: {  	s4 =	srdreg.scid;
	s5 =	stileid.u32  }
0xa: {  	s11 =	simm.s32 $0x80;
	s12 =	simm.s32 $0x400;
	s13 =	simm.s32 $0x14000  }
0xb: {  	s14 =	simm.s32 $0x4;
	s15 =	simm.s32 $0x2;
	s16 =	simm.s32 $0x14040  }
0xc: {  	s17 =	simm.s32 $0xC000;
	s18 =	simm.s32 $0x1;
	s4 =	sand.u32 $0x1, s4  }
0xd: {  	s19 =	simm.s32 $0x3;
	s5 =	sshll.u32 s5, $0x3;
	s6 =	sshll.u32 s4, $0x2  }
0xe: {  	s20 =	simm.s32 $0x10000;
	v20 =	vlaneseq.u32;
	s4 =	ssub.s32 $0x2, s4;
	s6 =	sor.u32 s6, s5  }
.Ltmp0:
0xf: {  	v21 =	vand.u32 $0x7, v20;
	s29 =	sshrl.u32 s4, $0x1;
	s8 =	sshll.u32 s6, $0x7;
	(pc) =	sbr.rel .LBB2_1-.Ltmp0, $4  }
0x10: {  	v63 =	vshrl.u32 v20, $0x3;
	v36 =	vor.u32 $0x4000, v21;
	[tilespmem:$0x1FFD0] =	vst v21;
	s9 =	ssub.s32 s4, s29;
	s30 =	sshll.u32 s6, $0x4;
	s10 =	sor.u32 $0x70, s8  }
0x11: {  	v22 =	vmul.u32 $0x8, v63;
	v59 =	vor.u32 $0x8000, v21;
	[tilespmem:$0x1FFC0] =	vst v36;
	s4 =	sadd.s32 s0, s8;
	s7 =	sadd.s32 s7, s30;
	s8 =	smax.u32 s9, $0x1  }
0x12: {  	[tilespmem:$0x1FFF0] =	vst v59;
	s5 =	sadd.s32 s1, s10;
	s6 =	sadd.s32 s3, s10;
	s31 =	spop (v2sf)  }
0x13: {  	vm0 =	vmmov $0xffff;
	v5 =	vimm.s32 $0x0;
	v6 =	vimm.f32 $0.0e+00;
	[tilespmem:$0x1FFE0] =	vst v22;
	s3 =	simm.s32 $0xBF80;
	s1 =	simm.s32 $0x0;
	p0 =	sgt.f32 s31, $0.0e+00  }
.LBB2_17:
0x14: {  	s0 =	simm.s32 $0x3380  }
0x15: {  	[hbm4b:s7+s2] =	stream.linear.scatter [tilespmem:s0], [sflag:$0x4], $0x80, $0x38;
	[tilespmem:$0x18240] =	vst v63  }
0x16: {  	s22 =	sadd.s32 $0x10, s7;
	s9 =	simm.s32 $0x3780  }
0x17: {  	[hbm4b:s22+s2] =	stream.linear.scatter [tilespmem:s9], [sflag:$0x4], $0x80, $0x38;
	[tilespmem:$0x18240] =	vst v63  }
0x18: {  	s23 =	sadd.s32 $0x20, s7;
	s24 =	simm.s32 $0x3B80  }
0x19: {  	[hbm4b:s23+s2] =	stream.linear.scatter [tilespmem:s24], [sflag:$0x4], $0x80, $0x38;
	[tilespmem:$0x18240] =	vst v63  }
0x1a: {  	s25 =	sadd.s32 $0x30, s7;
	s26 =	simm.s32 $0x3F80  }
0x1b: {  	[hbm4b:s25+s2] =	stream.linear.scatter [tilespmem:s26], [sflag:$0x4], $0x80, $0x38;
	[tilespmem:$0x18240] =	vst v63  }
0x1c: {  	s28 =	sadd.s32 $0x800, s7;
	s29 =	simm.s32 $0x7380  }
0x1d: {  	[hbm4b:s28+s2] =	stream.linear.scatter [tilespmem:s29], [sflag:$0x4], $0x80, $0x38;
	[tilespmem:$0x18240] =	vst v63  }
0x1e: {  	s30 =	sadd.s32 $0x810, s7;
	s31 =	simm.s32 $0x7780  }
0x1f: {  	[hbm4b:s30+s2] =	stream.linear.scatter [tilespmem:s31], [sflag:$0x4], $0x80, $0x38;
	[tilespmem:$0x18240] =	vst v63  }
0x20: {  	s10 =	sadd.s32 $0x820, s7;
	s21 =	simm.s32 $0x7B80  }
0x21: {  	[hbm4b:s10+s2] =	stream.linear.scatter [tilespmem:s21], [sflag:$0x4], $0x80, $0x38;
	[tilespmem:$0x18240] =	vst v63  }
0x22: {  	s22 =	sadd.s32 $0x830, s7;
	s23 =	simm.s32 $0x7F80  }
0x23: {  	[hbm4b:s22+s2] =	stream.linear.scatter [tilespmem:s23], [sflag:$0x4], $0x80, $0x38;
	[tilespmem:$0x18240] =	vst v63  }
0x24: {  	s24 =	sadd.s32 $0x1000, s7;
	s25 =	simm.s32 $0xB380  }
0x25: {  	[hbm4b:s24+s2] =	stream.linear.scatter [tilespmem:s25], [sflag:$0x4], $0x80, $0x38;
	[tilespmem:$0x18240] =	vst v63  }
0x26: {  	s1 =	sadd.s32 $0x1, s1;
	s26 =	sadd.s32 $0x1010, s7;
	s28 =	simm.s32 $0xB780  }
0x27: {  	[hbm4b:s26+s2] =	stream.linear.scatter [tilespmem:s28], [sflag:$0x4], $0x80, $0x38;
	[tilespmem:$0x18240] =	vst v63  }
0x28: {  	p1 =	sne.s32 s1, s8;
	s29 =	sadd.s32 $0x1020, s7;
	s30 =	simm.s32 $0xBB80  }
0x29: {  	[hbm4b:s29+s2] =	stream.linear.scatter [tilespmem:s30], [sflag:$0x4], $0x80, $0x38;
	[tilespmem:$0x18240] =	vst v63  }
.Ltmp1:
0x2a: {  	s31 =	sadd.s32 $0x1030, s7;
	(pc) =	sbr.rel @!p1 .LBB2_18-.Ltmp1, $4  }
0x2b: {  	[hbm4b:s31+s2] =	stream.linear.scatter [tilespmem:s3], [sflag:$0x4], $0x80, $0x38;
	[tilespmem:$0x18240] =	vst v63  }
0x2c: {  	_ =	swait.ge [sflag:s14], $0x600  }
0x2d: {  	[sflag:s14] =	ssyncset.done $0x0  }
0x2e: {  	v5 =	vimm.s32 $0x0;
	v6 =	vimm.f32 $0.0e+00;
	[sflag:s14] =	ssyncadd.s32 $0xFFFFFA00  }
.LBB2_1:
0x2f: {  	s0 =	simm.s32 $0x1000;
	s9 =	simm.s32 $0x20000  }
0x30: {  	[tilespmem:s2], [sflag:$0x1] =	stream.strided.gather [hbm4b:s4+s0], $0xC000, s9, s0, $0x38;
	[tilespmem:$0x18240] =	vst v63  }
0x31: {  	s31 =	simm.s32 $0xC000;
	s10 =	smov.u32 s5;
	s9 =	simm.s32 $0x800  }
0x32: {  	[tilespmem:s31], [sflag:$0x2] =	stream.strided.gather [hbm4b:s5+s11], $0x200, s12, s11, $0x38;
	[tilespmem:$0x18240] =	vst v63  }
.LBB2_2:
0x33: {  	p1 =	sne.s32 s9, $0xF800  }
.Ltmp2:
0x34: {  	_ = 	snop;
	(pc) =	sbr.rel @p1 .LBB2_2-.Ltmp2, $4  }
0x35: {  	_ = 	snop  }
0x36: {  	s21 =	sshra.s32 s9, $0x2;
	s9 =	sadd.s32 $0x800, s9  }
0x37: {  	s10 =	sadd.s32 $0x4000, s10;
	s21 =	sadd.s32 $0xC000, s21  }
0x38: {  	[tilespmem:s21], [sflag:$0x2] =	stream.strided.gather [hbm4b:s10+s11], $0x200, s12, s11, $0x38;
	[tilespmem:$0x18240] =	vst v63  }
0x39: {  	s9 =	simm.s32 $0x10000  }
0x3a: {  	[tilespmem:s9], [sflag:$0x3] =	stream.strided.gather [hbm4b:s6+s11], $0x200, s12, s11, $0x38;
	[tilespmem:$0x18240] =	vst v63  }
0x3b: {  	s10 =	smov.u32 s6;
	s9 =	simm.s32 $0x800  }
.LBB2_4:
0x3c: {  	p1 =	sne.s32 s9, $0xF800  }
.Ltmp3:
0x3d: {  	_ = 	snop;
	(pc) =	sbr.rel @p1 .LBB2_4-.Ltmp3, $4  }
0x3e: {  	_ = 	snop  }
0x3f: {  	s21 =	sshra.s32 s9, $0x2;
	s9 =	sadd.s32 $0x800, s9  }
0x40: {  	s10 =	sadd.s32 $0x4000, s10;
	s21 =	sadd.s32 $0x10000, s21  }
0x41: {  	[tilespmem:s21], [sflag:$0x3] =	stream.strided.gather [hbm4b:s10+s11], $0x200, s12, s11, $0x38;
	[tilespmem:$0x18240] =	vst v63  }
0x42: {  	s9 =	simm.s32 $0x0;
	s0 =	rddreg [dreg:$0x3]  }
0x43: {  	[tilespmem:s13], [sflag:$0x4] =	stream.linear.gather [hbm4b:s0+s9], $0x40, $0x38;
	[tilespmem:$0x18240] =	vst v63  }
0x44: {  	_ =	swait.ge [sflag:s14], $0x40  }
0x45: {  	[sflag:s14] =	ssyncset.done $0x0  }
0x46: {  	[sflag:s14] =	ssyncadd.s32 $0xFFFFFFC0  }
.Ltmp4:
0x47: {  	_ =	swait.ge [sflag:s15], $0x4000;
	(pc) =	sbr.rel .LBB2_6-.Ltmp4, $4  }
0x48: {  	[sflag:s15] =	ssyncset.done $0x0  }
0x49: {  	[sflag:s15] =	ssyncadd.s32 $0xFFFFC000  }
0x4a: {  	v0 =	vld [tilespmem:$0x14000]  }
0x4b: {  	v1 =	vld [tilespmem:$0x14010]  }
.LBB2_9:
0x4c: {  	s9 =	sadd.s32 $0x1, s9  }
0x4d: {  	p1 =	sne.s32 s9, $0x20  }
.Ltmp5:
0x4e: {  	_ = 	snop;
	(pc) =	sbr.rel @!p1 .LBB2_10-.Ltmp5, $3  }
0x4f: {  	_ =	sdelay $0x1  }
0x50: {  	s10 =	sand.u32 $0x3FFFFFF0, s10  }
0x51: {  	[tilespmem:s10+$0x18040] =	vst v3  }
.LBB2_6:
.Ltmp6:
0x52: {  	(pc) =	sbr.rel @!p0 .LBB2_9-.Ltmp6, $2  }
0x53: {  	_ =	sdelay $0x2  }
0x54: {  	v2 =	vimm.s32 $0x1;
	s10 =	sshll.u32 s9, $0x4;
	v3 =	vimm.s32 $0x1  }
0x55: {  	v4 =	vor.u32 s10, v20  }
0x56: {  	s21 =	sshll.u32 s9, $0x9;
	v7 =	vimm.s32 $0x1F;
	v3 =	vimm.s32 $0x1;
	s22 =	simm.s32 $0x0;
	vm1 =	vmmov vm0  }
.LBB2_8:
0x57: {  	s23 =	sshll.u32 s22, $0x4  }
0x58: {  	s23 =	sadd.s32 s21, s23  }
0x59: {  	v9 =	vshll.u32 v7, $0x9;
	v8 =	vor.u32 s23, v20  }
0x5a: {  	v9 =	vadd.s32 v4, v9;
	_ =	sdelay $0x3  }
0x5b: {  	[tilespmem:v8+s16+$0x0] =	vst.idx.msk vm1, v7  }
0x5c: {  	v8 =	vld.idx.msk [tilespmem:v9+s17+$0x0], $0xffff;
	_ =	sdelay $0x4  }
0x5d: {  	vm2 =	vlt.s32 v8, v7  }
0x5e: {  	vm1 =	vmand vm1, vm2  }
0x5f: {  	v62 =	vsel vm1, $0x3F800000, v6  }
0x60: {  	(xrf0) =	vmax.scan.msk.f32 $0xffff, v62;
	_ =	sdelay $0x5  }
0x61: {  	v9, _, _ =	vpop (xrf0)  }
0x62: {  	(v2sf) =	vpush v9, $0xF;
	_ =	sdelay $0xe  }
0x63: {  	s31 =	spop (v2sf)  }
0x64: {  	p1 =	sgt.f32 s31, $0.0e+00  }
.Ltmp7:
0x65: {  	_ = 	snop;
	(pc) =	sbr.rel @p1 .LBB2_8-.Ltmp7, $3  }
0x66: {  	_ =	sdelay $0x1  }
0x67: {  	v63 =	vsel vm1, $0x1, v5  }
0x68: {  	s22 =	sadd.s32 $0x1, s22;
	v7 =	vsel vm1, v8, v7;
	v3 =	vadd.s32 v63, v3  }
.Ltmp8:
0x69: {  	_ = 	snop;
	(pc) =	sbr.rel .LBB2_9-.Ltmp8, $1  }
0x6a: {  	_ =	sdelay $0x3  }
.LBB2_10:
0x6b: {  	s10 =	simm.s32 $0x0  }
0x6c: {  	s9 =	simm.s32 $0x40;
	v3 =	vld [tilespmem:s10+$0x18040]  }
.LBB2_11:
0x6d: {  	p1 =	sne.s32 s9, $0x7C0  }
.Ltmp9:
0x6e: {  	_ = 	snop;
	(pc) =	sbr.rel @p1 .LBB2_11-.Ltmp9, $3  }
0x6f: {  	_ =	sdelay $0x1  }
0x70: {  	s10 =	sshra.s32 s9, $0x2;
	s9 =	sadd.s32 $0x40, s9;
	vm1 =	vgt.s32 v2, v3  }
0x71: {  	v2 =	vsel vm1, v2, v3;
	v3 =	vld [tilespmem:s10+$0x18040]  }
0x72: {  	_ =	sdelay $0x3  }
0x73: {  	vm1 =	vgt.s32 v2, v3  }
0x74: {  	v2 =	vsel vm1, v2, v3  }
0x75: {  	v2 =	vxor.u32 $0x80000000, v2  }
0x76: {  	(xrf0) =	vmax.scan.msk.u32 $0xffff, v2;
	_ =	sdelay $0x5  }
0x77: {  	v2, _, _ =	vpop (xrf0)  }
0x78: {  	(v2sf) =	vpush v2, $0xF;
	_ =	sdelay $0xe  }
0x79: {  	s10 =	spop (v2sf)  }
0x7a: {  	s9 =	sxor.u32 $0x80000000, s10  }
0x7b: {  	_ =	swait.ge [sflag:s18], $0xC000;
	p1 =	slt.s32 s9, $0x1  }
.Ltmp10:
0x7c: {  	[sflag:s18] =	ssyncset.done $0x0;
	(pc) =	sbr.rel @p1 .LBB2_17-.Ltmp10, $4  }
0x7d: {  	[sflag:s18] =	ssyncadd.s32 $0xFFFF4000  }
0x7e: {  	_ =	swait.ge [sflag:s19], $0x4000  }
0x7f: {  	[sflag:s19] =	ssyncset.done $0x0  }
0x80: {  	[sflag:s19] =	ssyncadd.s32 $0xFFFFC000  }
0x81: {  	v2 =	vbroadcast v0, $0x6  }
0x82: {  	v37 =	vbroadcast v0, $0x3  }
0x83: {  	v38 =	vbroadcast v1, $0x3;
	[tilespmem:$0x1FEA0] =	vst v2  }
0x84: {  	v35 =	vbroadcast v1, $0x6;
	[tilespmem:$0x1FEB0] =	vst v37  }
0x85: {  	v39 =	vbroadcast v0, $0x4;
	[tilespmem:$0x1FEC0] =	vst v38  }
0x86: {  	v40 =	vbroadcast v1, $0x4;
	[tilespmem:$0x1FED0] =	vst v35  }
0x87: {  	v41 =	vbroadcast v0, $0x7;
	[tilespmem:$0x1FEE0] =	vst v39  }
0x88: {  	v42 =	vbroadcast v1, $0x7;
	[tilespmem:$0x1FEF0] =	vst v40  }
0x89: {  	v33 =	vbroadcast v1, $0x8;
	[tilespmem:$0x1FF00] =	vst v41  }
0x8a: {  	v44 =	vbroadcast v0, $0x1;
	[tilespmem:$0x1FF10] =	vst v42  }
0x8b: {  	v45 =	vbroadcast v1, $0x1;
	[tilespmem:$0x1FF20] =	vst v33  }
0x8c: {  	v46 =	vbroadcast v0, $0x2;
	[tilespmem:$0x1FF30] =	vst v44  }
0x8d: {  	v47 =	vbroadcast v1, $0x2;
	[tilespmem:$0x1FF40] =	vst v45  }
0x8e: {  	v60 =	vbroadcast v1, $0x5;
	[tilespmem:$0x1FF50] =	vst v46  }
0x8f: {  	v50 =	vbroadcast v0, $0x8;
	[tilespmem:$0x1FF60] =	vst v47  }
0x90: {  	v61 =	vbroadcast v0, $0x5;
	[tilespmem:$0x1FF70] =	vst v60  }
0x91: {  	v58 =	vbroadcast v0, $0x0;
	[tilespmem:$0x1FF80] =	vst v50  }
0x92: {  	v23 =	vbroadcast v1, $0x0;
	s21 =	sshll.u32 s10, $0x6;
	[tilespmem:$0x1FF90] =	vst v61  }
0x93: {  	s10 =	sadd.s32 $0x7FFFFFFF, s10;
	s21 =	sshra.s32 s21, $0x2;
	[tilespmem:$0x1FFA0] =	vst v58  }
0x94: {  	s22 =	simm.s32 $0x0;
	s23 =	simm.s32 $0x0;
	s21 =	sadd.s32 $0x14430, s21;
	[tilespmem:$0x1FFB0] =	vst v23  }
.LBB2_14:
0x95: {  	v0 =	vld [tilespmem:s21+$0x200];
	_ =	sdelay $0x1  }
0x96: {  	v1 =	vld [tilespmem:s21+$0xFFFFFC00]  }
0x97: {  	v3 =	vld [tilespmem:s21+$0x0]  }
0x98: {  	v2 =	vld [tilespmem:s21+$0xFFFFFE00]  }
0x99: {  	s24 =	simm.s32 $0x0;
	vm1 =	vgt.s32 v0, $0x0  }
0x9a: {  	s25 =	simm.s32 $0x30;
	v4 =	vmov s24;
	v0 =	vnsel vm1, $0x0, v0  }
0x9b: {  	s24 =	sand.u32 $0x70, s25;
	v7 =	vshll.u32 v4, $0x7;
	vm2 =	vgt.s32 v1, $0x0;
	v8 =	vmin.u32 v0, $0x1F  }
0x9c: {  	vm3 =	vgt.s32 v3, $0x0;
	v0 =	vor.u32 s24, v7;
	v12 =	vshll.u32 v8, $0x9  }
0x9d: {  	vm1 =	vgt.s32 v2, $0x0;
	v1 =	vnsel vm2, $0x0, v1;
	v0 =	vor.u32 v12, v0  }
0x9e: {  	s25 =	simm.s32 $0x10;
	v10 =	vmin.u32 v1, $0x1F;
	v1 =	vnsel vm3, $0x0, v3;
	v3 =	vor.u32 v20, v0  }
0x9f: {  	s26 =	simm.s32 $0x20;
	s25 =	sand.u32 $0x50, s25;
	v2 =	vnsel vm1, $0x0, v2;
	v9 =	vshll.u32 v10, $0x9  }
0xa0: {  	s26 =	sand.u32 $0x60, s26;
	v13 =	vmin.u32 v2, $0x1F;
	v14 =	vmin.u32 v1, $0x1F;
	v1 =	vor.u32 s25, v7  }
0xa1: {  	v2 =	vor.u32 s26, v7;
	v25 =	vshll.u32 v10, $0x7;
	v8 =	vshll.u32 v8, $0x7  }
0xa2: {  	s28 =	sand.u32 $0x40, s22;
	v11 =	vshll.u32 v13, $0x9;
	v15 =	vshll.u32 v14, $0x9;
	v12 =	vand.u32 $0x3000, v12  }
0xa3: {  	v8 =	vand.u32 $0x380, v8;
	v0 =	vor.u32 s28, v7;
	v1 =	vor.u32 v11, v1;
	v18 =	vld.idx.msk [tilespmem:v3+s20+$0x0], $0xffff  }
0xa4: {  	v2 =	vor.u32 v15, v2;
	v10 =	vand.u32 $0x3000, v15;
	v19 =	vld.idx.msk [tilespmem:v3+s17+$0x0], $0xffff;
	v3 =	vshll.u32 v4, $0xA  }
0xa5: {  	v0 =	vor.u32 v9, v0;
	v4 =	vor.u32 s24, v22;
	v26 =	vor.u32 v21, v3  }
0xa6: {  	v7 =	vor.u32 v20, v0;
	v15 =	vor.u32 v3, v4;
	v27 =	vor.u32 v4, v26  }
0xa7: {  	v16 =	vor.u32 v20, v1;
	v15 =	vor.u32 v12, v15;
	v12 =	vor.u32 v12, v27  }
0xa8: {  	v5 =	vor.u32 v8, v12;
	_ =	sdelay $0x1  }
0xa9: {  	v15 =	vor.u32 v8, v15  }
0xaa: {  	v17 =	vor.u32 v20, v2;
	v2 =	vor.u32 s28, v22;
	v28 =	vld.idx.msk [tilespmem:v7+s17+$0x0], $0xffff;
	v36 =	vor.u32 v36, v15;
	[tilespmem:$0x1FE00] =	vst v5  }
0xab: {  	v1 =	vor.u32 s26, v22;
	v0 =	vor.u32 s25, v22;
	v12 =	vmul.u32 $0x3, v18;
	v18 =	vld.idx.msk [tilespmem:v16+s17+$0x0], $0xffff;
	[tilespmem:$0x1FE20] =	vst v36  }
0xac: {  	v31 =	vor.u32 v2, v26;
	v32 =	vor.u32 v0, v26;
	v34 =	vor.u32 v1, v26;
	v26 =	vld.idx.msk [tilespmem:v5+s2+$0x0], $0xffff  }
0xad: {  	v8 =	vshll.u32 v19, $0x9;
	v5 =	vld [tilespmem:$0x1FFC0]  }
0xae: {  	v19 =	vshll.u32 v19, $0x7;
	v8 =	vand.u32 $0xFFFFF000, v8  }
0xaf: {  	v19 =	vand.u32 $0x380, v19;
	v27 =	vor.u32 v8, v27;
	v8 =	vadd.s32 v3, v8  }
0xb0: {  	v8 =	vor.u32 v19, v8  }
0xb1: {  	v30 =	vadd.s32 $0x20, v12;
	v4 =	vor.u32 v4, v8  }
0xb2: {  	v38 =	vadd.s32 v5, v4;
	v5 =	vor.u32 v59, v15  }
0xb3: {  	v29 =	vld.idx.msk [tilespmem:v17+s17+$0x0], $0xffff  }
0xb4: {  	v7 =	vld.idx.msk [tilespmem:v7+s20+$0x0], $0xffff  }
0xb5: {  	v27 =	vor.u32 v19, v27;
	v36 =	vld.idx.msk [tilespmem:v36+s2+$0x0], $0xffff  }
0xb6: {  	v33 =	vadd.s32 $0x21, v12;
	v30 =	vld.idx.msk [tilespmem:v30+s13+$0x0], $0xffff;
	[tilespmem:$0x1FE40] =	vst v5  }
0xb7: {  	v12 =	vadd.s32 $0x22, v12;
	v42 =	vld.idx.msk [tilespmem:v5+s2+$0x0], $0xffff  }
0xb8: {  	v5 =	vld [tilespmem:$0x1FEB0];
	_ =	sdelay $0x1  }
0xb9: {  	v15 =	vld.idx.msk [tilespmem:v27+s2+$0x0], $0xffff  }
0xba: {  	v41 =	vand.u32 $0x380, v25;
	v8 =	vshll.u32 v29, $0x9;
	v25 =	vld.idx.msk [tilespmem:v33+s13+$0x0], $0xffff  }
0xbb: {  	v52 =	vand.u32 $0xFFFFF000, v8;
	v4 =	vadd.s32 v59, v4;
	v8 =	vld.idx.msk [tilespmem:v12+s13+$0x0], $0xffff  }
0xbc: {  	v43 =	vmul.f32 v36, v5;
	v5 =	vld [tilespmem:$0x1FEE0]  }
0xbd: {  	v19 =	vshll.u32 v28, $0x9;
	v53 =	vmul.f32 v26, v44  }
0xbe: {  	v12 =	vshll.u32 v28, $0x7;
	v27 =	vmul.f32 v26, v58;
	v26 =	vmul.f32 v26, v46  }
0xbf: {  	v28 =	vmul.u32 $0x3, v7;
	v7 =	vld.idx.msk [tilespmem:v38+s2+$0x0], $0xffff;
	v25 =	vadd.f32 v25, v53;
	v54 =	vmul.f32 v15, v45  }
0xc0: {  	v8 =	vadd.f32 v8, v26;
	v26 =	vld.idx.msk [tilespmem:v4+s2+$0x0], $0xffff  }
0xc1: {  	v4 =	vadd.f32 v25, v54;
	v25 =	vmul.f32 v36, v5;
	v5 =	vld [tilespmem:$0x1FEC0];
	_ =	sdelay $0x4  }
0xc2: {  	v55 =	vmul.f32 v7, v5;
	v5 =	vld [tilespmem:$0x1FEA0];
	_ =	sdelay $0x2  }
0xc3: {  	v27 =	vadd.f32 v30, v27;
	v30 =	vmul.f32 v15, v23;
	v15 =	vmul.f32 v15, v47;
	_ =	sdelay $0x1  }
0xc4: {  	v8 =	vadd.f32 v8, v15;
	v15 =	vmul.f32 v42, v5;
	v5 =	vld [tilespmem:$0x1FEF0];
	_ =	sdelay $0x4  }
0xc5: {  	v4 =	vadd.f32 v4, v25;
	v25 =	vmul.f32 v7, v5;
	v5 =	vld [tilespmem:$0x1FF00];
	_ =	sdelay $0x2  }
0xc6: {  	v27 =	vadd.f32 v27, v30  }
0xc7: {  	v30 =	vmul.f32 v36, v61  }
0xc8: {  	v27 =	vadd.f32 v27, v43;
	v4 =	vadd.f32 v4, v25;
	v25 =	vmul.f32 v42, v5;
	v5 =	vld [tilespmem:$0x1FED0]  }
0xc9: {  	v8 =	vadd.f32 v8, v30;
	v7 =	vmul.f32 v7, v60  }
0xca: {  	v27 =	vadd.f32 v27, v55  }
0xcb: {  	v7 =	vadd.f32 v8, v7;
	v8 =	vadd.f32 v4, v25;
	v4 =	vld [tilespmem:$0x1FF10];
	_ =	sdelay $0x1  }
0xcc: {  	v15 =	vadd.f32 v27, v15;
	v27 =	vmul.f32 v26, v5;
	v5 =	vld [tilespmem:$0x1FF20];
	_ =	sdelay $0x2  }
0xcd: {  	v30 =	vmul.f32 v42, v50;
	v25 =	vmul.f32 v26, v4  }
0xce: {  	v4 =	vadd.f32 v15, v27  }
0xcf: {  	v7 =	vadd.f32 v7, v30;
	v8 =	vadd.f32 v8, v25;
	v15 =	vmul.f32 v26, v5  }
0xd0: {  	v13 =	vshll.u32 v13, $0x7;
	v14 =	vshll.u32 v14, $0x7;
	v26 =	vand.u32 $0x7FFFFFFF, v4  }
0xd1: {  	v30 =	vand.u32 $0x7FFFFFFF, v8;
	v7 =	vadd.f32 v7, v15;
	v15 =	vsub.f32 $0.0e+00, v26  }
0xd2: {  	v11 =	vand.u32 $0x3000, v11;
	v13 =	vand.u32 $0x380, v13;
	v30 =	vsub.f32 $0.0e+00, v30  }
0xd3: {  	v14 =	vand.u32 $0x380, v14;
	v9 =	vand.u32 $0x3000, v9;
	v15 =	vmul.f32 $1.442695020e+00, v15  }
0xd4: {  	v57 =	vor.u32 v3, v1;
	v37 =	vor.u32 v9, v31;
	v30 =	vmul.f32 $1.442695020e+00, v30  }
0xd5: {  	v39 =	vor.u32 v11, v32;
	v40 =	vor.u32 v10, v34;
	(erf) = vpow2.f32 v15  }
0xd6: {  	v10 =	vor.u32 v10, v57;
	v19 =	vand.u32 $0xFFFFF000, v19;
	(erf) = vpow2.f32 v30  }
0xd7: {  	v10 =	vor.u32 v14, v10;
	v31 =	vor.u32 v19, v31;
	v35 =	vshll.u32 v18, $0x9  }
0xd8: {  	v19 =	vadd.s32 v3, v19;
	v18 =	vshll.u32 v18, $0x7;
	v51 =	vand.u32 $0xFFFFF000, v35  }
0xd9: {  	v29 =	vshll.u32 v29, $0x7;
	v32 =	vor.u32 v51, v32;
	v5 =	vld [tilespmem:$0x1FFC0];
	v56 =	vand.u32 $0x7FFFFFFF, v7  }
0xda: {  	v34 =	vor.u32 v52, v34;
	v12 =	vand.u32 $0x380, v12;
	v36 =	vsub.f32 $0.0e+00, v56  }
0xdb: {  	v15 =	vand.u32 $0x380, v18;
	v18 =	vand.u32 $0x380, v29;
	v29 =	vor.u32 v3, v2  }
0xdc: {  	v17 =	vld.idx.msk [tilespmem:v17+s20+$0x0], $0xffff;
	v31 =	vor.u32 v12, v31;
	v26 =	vor.u32 v14, v40;
	v9 =	vor.u32 v9, v29  }
0xdd: {  	v16 =	vld.idx.msk [tilespmem:v16+s20+$0x0], $0xffff;
	v36 =	vmul.f32 $1.442695020e+00, v36;
	v30 =	vor.u32 v3, v0;
	v9 =	vor.u32 v41, v9  }
0xde: {  	v29 =	vadd.s32 v3, v51;
	v3 =	vadd.s32 v3, v52;
	v55 =	vor.u32 v5, v9;
	v5 =	vld [tilespmem:$0x1FFC0];
	v14 =	vpop (erf)  }
0xdf: {  	v34 =	vor.u32 v18, v34;
	v3 =	vor.u32 v18, v3;
	(erf) = vpow2.f32 v36;
	v18 =	vpop (erf)  }
0xe0: {  	v12 =	vor.u32 v12, v19;
	v19 =	vmul.f32 $1.420285930e-02, v14;
	v51 =	vmul.f32 $1.420285930e-02, v18  }
0xe1: {  	v49 =	vadd.s32 $0x21, v28;
	v17 =	vmul.u32 $0x3, v17;
	v11 =	vor.u32 v11, v30  }
0xe2: {  	v11 =	vor.u32 v13, v11;
	v19 =	vadd.f32 $-6.658820810e-02, v19;
	v33 =	vadd.f32 $-6.658820810e-02, v51  }
0xe3: {  	v16 =	vmul.u32 $0x3, v16;
	v42 =	vadd.s32 $0x20, v17;
	v54 =	vor.u32 v5, v11;
	v5 =	vld [tilespmem:$0x1FFC0]  }
0xe4: {  	v1 =	vor.u32 v1, v3;
	v3 =	vmul.f32 v19, v14;
	v19 =	vmul.f32 v33, v18  }
0xe5: {  	v62 =	vadd.s32 $0x20, v16  }
0xe6: {  	v63 =	vadd.s32 $0x21, v16;
	v3 =	vadd.f32 $1.494348350e-01, v3;
	v19 =	vadd.f32 $1.494348350e-01, v19  }
0xe7: {  	v38 =	vld.idx.msk [tilespmem:v49+s13+$0x0], $0xffff;
	v27 =	vor.u32 v41, v37;
	v57 =	vor.u32 v59, v9  }
0xe8: {  	v35 =	vpop (erf);
	v56 =	vor.u32 v5, v10;
	v5 =	vld [tilespmem:$0x1FFC0];
	v3 =	vmul.f32 v3, v14;
	v9 =	vmul.f32 v19, v18  }
0xe9: {  	v48 =	vadd.s32 $0x20, v28;
	v42 =	vld.idx.msk [tilespmem:v42+s13+$0x0], $0xffff;
	v25 =	vor.u32 v13, v39;
	v52 =	vmul.f32 $1.420285930e-02, v35  }
0xea: {  	v39 =	vld.idx.msk [tilespmem:v62+s13+$0x0], $0xffff;
	v13 =	vor.u32 v15, v29;
	v3 =	vadd.f32 $-2.351488170e-01, v3;
	v9 =	vadd.f32 $-2.351488170e-01, v9  }
0xeb: {  	v40 =	vld.idx.msk [tilespmem:v63+s13+$0x0], $0xffff;
	v2 =	vor.u32 v2, v12;
	v12 =	vor.u32 v0, v13;
	v0 =	vadd.f32 $-6.658820810e-02, v52  }
0xec: {  	v41 =	vld.idx.msk [tilespmem:v27+s2+$0x0], $0xffff;
	v3 =	vmul.f32 v3, v14;
	v9 =	vmul.f32 v9, v18  }
0xed: {  	v32 =	vor.u32 v15, v32;
	v0 =	vmul.f32 v0, v35;
	v36 =	vadd.s32 v5, v2;
	v5 =	vld [tilespmem:$0x1FFC0]  }
0xee: {  	v15 =	vadd.s32 $0x22, v28;
	v28 =	vmovc v44;
	v44 =	vld.idx.msk [tilespmem:v25+s2+$0x0], $0xffff;
	v3 =	vadd.f32 $3.311205800e-01, v3;
	v9 =	vadd.f32 $3.311205800e-01, v9  }
0xef: {  	v13 =	vld.idx.msk [tilespmem:v48+s13+$0x0], $0xffff;
	v0 =	vadd.f32 $1.494348350e-01, v0  }
0xf0: {  	v29 =	vmov v45;
	v45 =	vld.idx.msk [tilespmem:v31+s2+$0x0], $0xffff;
	v3 =	vmul.f32 v3, v14;
	v9 =	vmul.f32 v9, v18  }
0xf1: {  	v43 =	vadd.s32 $0x21, v17;
	v34 =	vld.idx.msk [tilespmem:v34+s2+$0x0], $0xffff;
	v0 =	vmul.f32 v0, v35  }
0xf2: {  	v37 =	vadd.s32 v5, v12;
	v5 =	vld [tilespmem:$0x1FFC0];
	v3 =	vadd.f32 $-4.998719390e-01, v3;
	v9 =	vadd.f32 $-4.998719390e-01, v9  }
0xf3: {  	v16 =	vadd.s32 $0x22, v16;
	v19 =	vld.idx.msk [tilespmem:v32+s2+$0x0], $0xffff;
	v32 =	vmul.f32 v44, v58;
	v0 =	vadd.f32 $-2.351488170e-01, v0  }
0xf4: {  	v17 =	vadd.s32 $0x22, v17;
	v15 =	vld.idx.msk [tilespmem:v15+s13+$0x0], $0xffff;
	v3 =	vmul.f32 v3, v14;
	v9 =	vmul.f32 v9, v18  }
0xf5: {  	v33 =	vld.idx.msk [tilespmem:v26+s2+$0x0], $0xffff;
	v39 =	vadd.f32 v39, v32;
	v0 =	vmul.f32 v0, v35  }
0xf6: {  	v32 =	vld.idx.msk [tilespmem:v43+s13+$0x0], $0xffff;
	v3 =	vadd.f32 $9.999987480e-01, v3;
	v9 =	vadd.f32 $9.999987480e-01, v9  }
0xf7: {  	v30 =	vmov v46;
	v0 =	vadd.f32 $3.311205800e-01, v0;
	v46 =	vadd.s32 v5, v1;
	v5 =	vld [tilespmem:$0x1FEB0]  }
0xf8: {  	v3 =	vmul.f32 v3, v14;
	v14 =	vld.idx.msk [tilespmem:v16+s13+$0x0], $0xffff;
	v9 =	vmul.f32 v9, v18  }
0xf9: {  	v4 =	vmax.f32 v4, $0.0e+00;
	v8 =	vmax.f32 v8, $0.0e+00;
	v0 =	vmul.f32 v0, v35;
	v16 =	vld.idx.msk [tilespmem:v17+s13+$0x0], $0xffff;
	[tilespmem:$0x1FD00] =	vst v55  }
0xfa: {  	v3 =	vadd.f32 v3, v4;
	v4 =	vadd.f32 v9, v8;
	v8 =	vld.idx.msk [tilespmem:v55+s2+$0x0], $0xffff  }
0xfb: {  	v0 =	vadd.f32 $-4.998719390e-01, v0  }
0xfc: {  	v51 =	vmul.f32 v33, v28  }
0xfd: {  	v0 =	vmul.f32 v0, v35  }
0xfe: {  	v53 =	vmul.f32 v41, v58;
	v49 =	vmul.f32 v41, v28;
	v51 =	vadd.f32 v32, v51;
	v32 =	vmovc v54  }
0xff: {  	v0 =	vadd.f32 $9.999987480e-01, v0;
	v55 =	vmul.f32 v8, v5;
	v5 =	vld [tilespmem:$0x1FEE0]  }
0x100: {  	v13 =	vadd.f32 v13, v53;
	v38 =	vadd.f32 v38, v49;
	v49 =	vmul.f32 v45, v23  }
0x101: {  	v7 =	vmax.f32 v7, $0.0e+00;
	v0 =	vmul.f32 v0, v35  }
0x102: {  	v54 =	vor.u32 v59, v11;
	v11 =	vadd.f32 v13, v49;
	v13 =	vmul.f32 v33, v30  }
0x103: {  	v0 =	vadd.f32 v0, v7;
	v7 =	vld.idx.msk [tilespmem:v32+s2+$0x0], $0xffff  }
0x104: {  	v13 =	vadd.f32 v16, v13;
	v16 =	vmul.f32 v8, v5;
	v5 =	vld [tilespmem:$0x1FEB0];
	_ =	sdelay $0x2  }
0x105: {  	[tilespmem:$0x1FD10] =	vst v56  }
0x106: {  	v35 =	vld.idx.msk [tilespmem:v56+s2+$0x0], $0xffff  }
0x107: {  	v56 =	vmul.f32 v7, v5;
	v5 =	vld [tilespmem:$0x1FEE0]  }
0x108: {  	v62 =	vmul.f32 v44, v28;
	v63 =	vmul.f32 v33, v58;
	_ =	sdelay $0x1  }
0x109: {  	v40 =	vadd.f32 v40, v62;
	v62 =	vmul.f32 v34, v23;
	v42 =	vadd.f32 v42, v63  }
0x10a: {  	v31 =	vmov v47;
	v43 =	vmul.f32 v19, v23;
	v53 =	vmul.f32 v19, v29  }
0x10b: {  	v18 =	vmul.f32 v19, v31;
	v19 =	vadd.f32 v42, v62;
	v62 =	vmul.f32 v7, v5;
	v5 =	vld [tilespmem:$0x1FEB0];
	_ =	sdelay $0x2  }
0x10c: {  	v63 =	vmul.f32 v34, v29;
	_ =	sdelay $0x1  }
0x10d: {  	v17 =	vadd.f32 v40, v53;
	v53 =	vadd.f32 v51, v63;
	v63 =	vmul.f32 v35, v5;
	v5 =	vld [tilespmem:$0x1FEE0]  }
0x10e: {  	v52 =	vmul.f32 v45, v29;
	_ =	sdelay $0x1  }
0x10f: {  	v49 =	vor.u32 v59, v10;
	v10 =	vadd.f32 v38, v52  }
0x110: {  	v36 =	vld.idx.msk [tilespmem:v36+s2+$0x0], $0xffff  }
0x111: {  	v10 =	vadd.f32 v10, v16;
	v16 =	vmul.f32 v35, v5;
	v5 =	vld [tilespmem:$0x1FEC0];
	_ =	sdelay $0x4  }
0x112: {  	v48 =	vmul.f32 v36, v5;
	v5 =	vld [tilespmem:$0x1FEF0];
	_ =	sdelay $0x3  }
0x113: {  	v37 =	vld.idx.msk [tilespmem:v37+s2+$0x0], $0xffff  }
0x114: {  	v6 =	vmov v50;
	v50 =	vmul.f32 v36, v5;
	v5 =	vld [tilespmem:$0x1FEC0]  }
0x115: {  	v41 =	vmul.f32 v41, v30;
	_ =	sdelay $0x1  }
0x116: {  	v15 =	vadd.f32 v15, v41;
	v9 =	vmul.f32 v45, v31  }
0x117: {  	v3 =	vadd.f32 $9.999999970e-07, v3  }
0x118: {  	v4 =	vadd.f32 $9.999999970e-07, v4;
	v9 =	vadd.f32 v15, v9;
	v15 =	vmul.f32 v37, v5;
	v5 =	vld [tilespmem:$0x1FEF0];
	_ =	sdelay $0x1  }
0x119: {  	v0 =	vadd.f32 $9.999999970e-07, v0;
	v52 =	vadd.f32 v4, v3;
	_ =	sdelay $0x1  }
0x11a: {  	v38 =	vadd.f32 v39, v43;
	v43 =	vld.idx.msk [tilespmem:v46+s2+$0x0], $0xffff;
	v39 =	vadd.f32 v0, v52  }
0x11b: {  	v51 =	vmul.f32 v37, v5;
	v5 =	vld [tilespmem:$0x1FEC0]  }
0x11c: {  	v44 =	vmul.f32 v44, v30;
	(erf) = vrcp.f32 v39;
	_ =	sdelay $0x1  }
0x11d: {  	v14 =	vadd.f32 v14, v44;
	_ =	sdelay $0x1  }
0x11e: {  	v14 =	vadd.f32 v14, v18;
	v18 =	vmul.f32 v43, v5;
	v5 =	vld [tilespmem:$0x1FEF0];
	_ =	sdelay $0x2  }
0x11f: {  	v2 =	vadd.s32 v59, v2;
	[tilespmem:$0x1FD20] =	vst v57;
	v8 =	vmul.f32 v8, v61  }
0x120: {  	v12 =	vadd.s32 v59, v12;
	v16 =	vadd.f32 v53, v16;
	v53 =	vld.idx.msk [tilespmem:v57+s2+$0x0], $0xffff  }
0x121: {  	v34 =	vmul.f32 v34, v31;
	v8 =	vadd.f32 v9, v8;
	v9 =	vpop (erf);
	[tilespmem:$0x1FD30] =	vst v54;
	v52 =	vmul.f32 v43, v5;
	v5 =	vld [tilespmem:$0x1FF00]  }
0x122: {  	v11 =	vadd.f32 v11, v55;
	v3 =	vmul.f32 v9, v3;
	v55 =	vld.idx.msk [tilespmem:v54+s2+$0x0], $0xffff;
	[tilespmem:$0x1FD40] =	vst v49  }
0x123: {  	v13 =	vadd.f32 v13, v34;
	v38 =	vadd.f32 v38, v56;
	v56 =	vld.idx.msk [tilespmem:v49+s2+$0x0], $0xffff  }
0x124: {  	v4 =	vmul.f32 v9, v4;
	v35 =	vmul.f32 v35, v61;
	v2 =	vld.idx.msk [tilespmem:v2+s2+$0x0], $0xffff;
	[tilespmem:$0x1FE10] =	vst v3  }
0x125: {  	v3 =	vld.idx.msk [tilespmem:v12+s2+$0x0], $0xffff  }
0x126: {  	[tilespmem:$0x1FE30] =	vst v4;
	v4 =	vadd.f32 v13, v35;
	v13 =	vmul.f32 v53, v5;
	v5 =	vld [tilespmem:$0x1FF00];
	_ =	sdelay $0x4  }
0x127: {  	v57 =	vmul.f32 v55, v5;
	v5 =	vld [tilespmem:$0x1FF00];
	_ =	sdelay $0x2  }
0x128: {  	v33 =	vld [tilespmem:$0x1FEA0];
	_ =	sdelay $0x1  }
0x129: {  	v19 =	vadd.f32 v19, v63;
	v63 =	vmul.f32 v56, v5;
	v5 =	vld [tilespmem:$0x1FED0];
	_ =	sdelay $0x2  }
0x12a: {  	v11 =	vadd.f32 v11, v48;
	v12 =	vmul.f32 v53, v33;
	_ =	sdelay $0x1  }
0x12b: {  	v11 =	vadd.f32 v11, v12;
	v12 =	vmul.f32 v2, v5;
	v5 =	vld [tilespmem:$0x1FF10];
	_ =	sdelay $0x2  }
0x12c: {  	v10 =	vadd.f32 v10, v50;
	_ =	sdelay $0x1  }
0x12d: {  	v7 =	vmul.f32 v7, v61;
	v10 =	vadd.f32 v10, v13;
	v13 =	vmul.f32 v2, v5;
	v5 =	vld [tilespmem:$0x1FED0]  }
0x12e: {  	v17 =	vadd.f32 v17, v62  }
0x12f: {  	v7 =	vadd.f32 v14, v7  }
0x130: {  	v14 =	vmul.f32 v55, v33;
	v15 =	vadd.f32 v38, v15;
	v17 =	vadd.f32 v17, v51  }
0x131: {  	v1 =	vadd.s32 v59, v1  }
0x132: {  	v14 =	vadd.f32 v15, v14;
	v15 =	vadd.f32 v17, v57;
	v17 =	vmul.f32 v3, v5;
	v5 =	vld [tilespmem:$0x1FF10];
	_ =	sdelay $0x3  }
0x133: {  	v1 =	vld.idx.msk [tilespmem:v1+s2+$0x0], $0xffff  }
0x134: {  	v40 =	vmul.f32 v3, v5;
	v5 =	vld [tilespmem:$0x1FED0];
	_ =	sdelay $0x4  }
0x135: {  	v11 =	vadd.f32 v11, v12;
	v12 =	vmul.f32 v1, v5;
	v5 =	vld [tilespmem:$0x1FF10];
	_ =	sdelay $0x2  }
0x136: {  	v18 =	vadd.f32 v19, v18;
	v19 =	vmul.f32 v43, v60;
	_ =	sdelay $0x1  }
0x137: {  	v4 =	vadd.f32 v4, v19;
	v19 =	vmul.f32 v1, v5;
	v5 =	vld [tilespmem:$0x1FF20];
	_ =	sdelay $0x4  }
0x138: {  	v37 =	vmul.f32 v37, v60;
	v2 =	vmul.f32 v2, v5;
	v5 =	vld [tilespmem:$0x1FF20]  }
0x139: {  	v36 =	vmul.f32 v36, v60  }
0x13a: {  	v34 =	vmul.f32 v55, v6;
	v7 =	vadd.f32 v7, v37  }
0x13b: {  	v8 =	vadd.f32 v8, v36  }
0x13c: {  	v62 =	vmul.f32 v56, v33;
	v7 =	vadd.f32 v7, v34;
	v16 =	vadd.f32 v16, v52  }
0x13d: {  	v10 =	vadd.f32 v10, v13;
	v13 =	vmul.f32 v53, v6;
	v3 =	vmul.f32 v3, v5;
	v5 =	vld [tilespmem:$0x1FF20]  }
0x13e: {  	v18 =	vadd.f32 v18, v62;
	v14 =	vadd.f32 v14, v17;
	v17 =	vmul.f32 v56, v6  }
0x13f: {  	v16 =	vadd.f32 v16, v63;
	v8 =	vadd.f32 v8, v13;
	v13 =	vand.u32 $0x7FFFFFFF, v11  }
0x140: {  	v4 =	vadd.f32 v4, v17;
	v17 =	vand.u32 $0x7FFFFFFF, v10;
	v15 =	vadd.f32 v15, v40  }
0x141: {  	v12 =	vadd.f32 v18, v12;
	v18 =	vand.u32 $0x7FFFFFFF, v14;
	v16 =	vadd.f32 v16, v19  }
0x142: {  	v19 =	vand.u32 $0x7FFFFFFF, v15;
	v2 =	vadd.f32 v8, v2;
	v1 =	vmul.f32 v1, v5  }
0x143: {  	v41 =	vand.u32 $0x7FFFFFFF, v16;
	v42 =	vadd.f32 v7, v3;
	v3 =	vsub.f32 $0.0e+00, v13  }
0x144: {  	v8 =	vand.u32 $0x7FFFFFFF, v12;
	v13 =	vadd.f32 v4, v1;
	v1 =	vsub.f32 $0.0e+00, v17  }
0x145: {  	v8 =	vsub.f32 $0.0e+00, v8;
	v7 =	vsub.f32 $0.0e+00, v18;
	v3 =	vmul.f32 $1.442695020e+00, v3  }
0x146: {  	v18 =	vand.u32 $0x7FFFFFFF, v42;
	v17 =	vsub.f32 $0.0e+00, v19;
	v1 =	vmul.f32 $1.442695020e+00, v1  }
0x147: {  	v7 =	vmul.f32 $1.442695020e+00, v7;
	(erf) = vpow2.f32 v3;
	v4 =	vand.u32 $0x7FFFFFFF, v2  }
0x148: {  	v19 =	vsub.f32 $0.0e+00, v41;
	v17 =	vmul.f32 $1.442695020e+00, v17;
	(erf) = vpow2.f32 v1  }
0x149: {  	s26 =	simm.s32 $0x18060;
	v1 =	vsub.f32 $0.0e+00, v4;
	v4 =	vmul.f32 $1.442695020e+00, v8;
	(erf) = vpow2.f32 v7  }
0x14a: {  	v3 =	vld [tilespmem:s26+$0x10];
	v43 =	vand.u32 $0x7FFFFFFF, v13;
	v8 =	vmul.f32 $1.442695020e+00, v19;
	(erf) = vpow2.f32 v17  }
0x14b: {  	v7 =	vsub.f32 $0.0e+00, v18;
	v1 =	vmul.f32 $1.442695020e+00, v1;
	(erf) = vpow2.f32 v4  }
0x14c: {  	v0 =	vmul.f32 v9, v0;
	v17 =	vsub.f32 $0.0e+00, v43;
	(erf) = vpow2.f32 v8  }
0x14d: {  	s29 =	ssub.s32 s10, s23;
	v18 =	vld [tilespmem:s26+$0xFFFFFFE0];
	v4 =	vmul.f32 $1.442695020e+00, v7;
	(erf) = vpow2.f32 v1  }
0x14e: {  	v9 =	vmax.f32 v10, $0.0e+00;
	v5 =	vmov s29;
	v7 =	vmul.f32 $1.442695020e+00, v17;
	v17 =	vld [tilespmem:s26+$0xFFFFFFF0];
	[tilespmem:$0x1FE50] =	vst v0  }
0x14f: {  	vm4 =	vlt.s32 v5, v3;
	v3 =	vmax.f32 v11, $0.0e+00;
	v11 =	vld [tilespmem:s26+$0x0];
	(erf) = vpow2.f32 v4  }
0x150: {  	v10 =	vmax.f32 v15, $0.0e+00;
	(erf) = vpow2.f32 v7;
	v7 =	vmax.f32 v12, $0.0e+00;
	v12 =	vpop (erf)  }
0x151: {  	v8 =	vmax.f32 v16, $0.0e+00;
	v4 =	vmax.f32 v14, $0.0e+00;
	v14 =	vmul.f32 $1.420285930e-02, v12;
	v15 =	vpop (erf)  }
0x152: {  	v0 =	vmax.f32 v13, $0.0e+00;
	vm6 =	vlt.s32 v5, v18;
	v13 =	vmul.f32 $1.420285930e-02, v15;
	v16 =	vpop (erf)  }
0x153: {  	vm5 =	vlt.s32 v5, v17;
	v14 =	vadd.f32 $-6.658820810e-02, v14;
	v17 =	vmul.f32 $1.420285930e-02, v16;
	v18 =	vpop (erf)  }
0x154: {  	vm3 =	vlt.s32 v5, v11;
	v11 =	vadd.f32 $-6.658820810e-02, v13;
	v13 =	vmul.f32 $1.420285930e-02, v18;
	v19 =	vpop (erf)  }
0x155: {  	v2 =	vmax.f32 v2, $0.0e+00;
	v14 =	vmul.f32 v14, v12;
	v17 =	vadd.f32 $-6.658820810e-02, v17;
	v45 =	vpop (erf)  }
0x156: {  	v44 =	vmul.f32 $1.420285930e-02, v19;
	v11 =	vmul.f32 v11, v15;
	v13 =	vadd.f32 $-6.658820810e-02, v13;
	v47 =	vpop (erf)  }
0x157: {  	v46 =	vmul.f32 $1.420285930e-02, v45;
	v14 =	vadd.f32 $1.494348350e-01, v14;
	v48 =	vmul.f32 $1.420285930e-02, v47  }
0x158: {  	v17 =	vmul.f32 v17, v16;
	v35 =	vadd.f32 $-6.658820810e-02, v44;
	v49 =	vpop (erf);
	v13 =	vmul.f32 v13, v18  }
0x159: {  	v50 =	vmul.f32 $1.420285930e-02, v49;
	v37 =	vadd.f32 $-6.658820810e-02, v46;
	v11 =	vadd.f32 $1.494348350e-01, v11  }
0x15a: {  	v51 =	vpop (erf);
	v14 =	vmul.f32 v14, v12;
	v39 =	vadd.f32 $-6.658820810e-02, v48;
	v35 =	vmul.f32 v35, v19  }
0x15b: {  	v52 =	vmul.f32 $1.420285930e-02, v51;
	v17 =	vadd.f32 $1.494348350e-01, v17;
	v41 =	vadd.f32 $-6.658820810e-02, v50  }
0x15c: {  	v37 =	vmul.f32 v37, v45;
	v13 =	vadd.f32 $1.494348350e-01, v13;
	v11 =	vmul.f32 v11, v15  }
0x15d: {  	v14 =	vadd.f32 $-2.351488170e-01, v14;
	v39 =	vmul.f32 v39, v47;
	v43 =	vadd.f32 $-6.658820810e-02, v52  }
0x15e: {  	v35 =	vadd.f32 $1.494348350e-01, v35;
	v17 =	vmul.f32 v17, v16;
	v41 =	vmul.f32 v41, v49  }
0x15f: {  	v37 =	vadd.f32 $1.494348350e-01, v37;
	v13 =	vmul.f32 v13, v18;
	v11 =	vadd.f32 $-2.351488170e-01, v11  }
0x160: {  	v14 =	vmul.f32 v14, v12;
	v43 =	vmul.f32 v43, v51;
	v39 =	vadd.f32 $1.494348350e-01, v39  }
0x161: {  	v35 =	vmul.f32 v35, v19;
	v17 =	vadd.f32 $-2.351488170e-01, v17;
	v41 =	vadd.f32 $1.494348350e-01, v41  }
0x162: {  	v37 =	vmul.f32 v37, v45;
	v13 =	vadd.f32 $-2.351488170e-01, v13;
	v11 =	vmul.f32 v11, v15  }
0x163: {  	v14 =	vadd.f32 $3.311205800e-01, v14;
	v43 =	vadd.f32 $1.494348350e-01, v43;
	v39 =	vmul.f32 v39, v47  }
0x164: {  	v35 =	vadd.f32 $-2.351488170e-01, v35;
	v17 =	vmul.f32 v17, v16;
	v41 =	vmul.f32 v41, v49  }
0x165: {  	v37 =	vadd.f32 $-2.351488170e-01, v37;
	v13 =	vmul.f32 v13, v18;
	v11 =	vadd.f32 $3.311205800e-01, v11  }
0x166: {  	v14 =	vmul.f32 v14, v12;
	v43 =	vmul.f32 v43, v51;
	v39 =	vadd.f32 $-2.351488170e-01, v39  }
0x167: {  	v35 =	vmul.f32 v35, v19;
	v17 =	vadd.f32 $3.311205800e-01, v17;
	v41 =	vadd.f32 $-2.351488170e-01, v41  }
0x168: {  	v37 =	vmul.f32 v37, v45;
	v13 =	vadd.f32 $3.311205800e-01, v13;
	v11 =	vmul.f32 v11, v15  }
0x169: {  	v14 =	vadd.f32 $-4.998719390e-01, v14;
	v43 =	vadd.f32 $-2.351488170e-01, v43;
	v39 =	vmul.f32 v39, v47  }
0x16a: {  	v35 =	vadd.f32 $3.311205800e-01, v35;
	v17 =	vmul.f32 v17, v16;
	v41 =	vmul.f32 v41, v49  }
0x16b: {  	v37 =	vadd.f32 $3.311205800e-01, v37;
	v13 =	vmul.f32 v13, v18;
	v11 =	vadd.f32 $-4.998719390e-01, v11  }
0x16c: {  	v14 =	vmul.f32 v14, v12;
	v43 =	vmul.f32 v43, v51;
	v39 =	vadd.f32 $3.311205800e-01, v39  }
0x16d: {  	v35 =	vmul.f32 v35, v19;
	v17 =	vadd.f32 $-4.998719390e-01, v17;
	v41 =	vadd.f32 $3.311205800e-01, v41  }
0x16e: {  	v37 =	vmul.f32 v37, v45;
	v13 =	vadd.f32 $-4.998719390e-01, v13;
	v11 =	vmul.f32 v11, v15  }
0x16f: {  	v14 =	vadd.f32 $9.999987480e-01, v14;
	v43 =	vadd.f32 $3.311205800e-01, v43;
	v39 =	vmul.f32 v39, v47  }
0x170: {  	v35 =	vadd.f32 $-4.998719390e-01, v35;
	v17 =	vmul.f32 v17, v16;
	v41 =	vmul.f32 v41, v49  }
0x171: {  	v37 =	vadd.f32 $-4.998719390e-01, v37;
	v13 =	vmul.f32 v13, v18;
	v11 =	vadd.f32 $9.999987480e-01, v11  }
0x172: {  	v12 =	vmul.f32 v14, v12;
	v43 =	vmul.f32 v43, v51;
	v39 =	vadd.f32 $-4.998719390e-01, v39  }
0x173: {  	v35 =	vmul.f32 v35, v19;
	v17 =	vadd.f32 $9.999987480e-01, v17;
	v41 =	vadd.f32 $-4.998719390e-01, v41  }
0x174: {  	v37 =	vmul.f32 v37, v45;
	v13 =	vadd.f32 $9.999987480e-01, v13;
	v11 =	vmul.f32 v11, v15  }
0x175: {  	v3 =	vadd.f32 v12, v3;
	v43 =	vadd.f32 $-4.998719390e-01, v43;
	v39 =	vmul.f32 v39, v47  }
0x176: {  	v35 =	vadd.f32 $9.999987480e-01, v35;
	v16 =	vmul.f32 v17, v16;
	v37 =	vadd.f32 $9.999987480e-01, v37  }
0x177: {  	s28 =	sadd.s32 $0x800, s21;
	v41 =	vmul.f32 v41, v49;
	v13 =	vmul.f32 v13, v18;
	v9 =	vadd.f32 v11, v9  }
0x178: {  	v15 =	vld [tilespmem:s28+$0x200];
	v3 =	vadd.f32 $9.999999970e-07, v3;
	v18 =	vmul.f32 v35, v19;
	v19 =	vmul.f32 v37, v45  }
0x179: {  	v1 =	vmax.f32 v42, $0.0e+00;
	v14 =	vadd.f32 $9.999987480e-01, v39;
	v4 =	vadd.f32 v16, v4  }
0x17a: {  	s30 =	simm.s32 $0x0;
	v43 =	vmul.f32 v43, v51;
	v17 =	vadd.f32 $9.999987480e-01, v41;
	v8 =	vadd.f32 v19, v8  }
0x17b: {  	v16 =	vmov s30;
	v10 =	vadd.f32 v13, v10;
	v57 =	vadd.f32 $9.999999970e-07, v9  }
0x17c: {  	v53 =	vadd.f32 $9.999987480e-01, v43;
	v11 =	vmul.f32 v14, v47;
	v7 =	vadd.f32 v18, v7;
	[tilespmem:$0x1FDA0] =	vst v8  }
0x17d: {  	s31 =	simm.s32 $0x70;
	vm1 =	vgt.s32 v15, $0x0;
	v4 =	vadd.f32 $9.999999970e-07, v4;
	v12 =	vmul.f32 v17, v49;
	v8 =	vld [tilespmem:s28+$0xFFFFFC00]  }
0x17e: {  	s0 =	sand.u32 $0x70, s31;
	v15 =	vnsel vm1, $0x0, v15;
	v17 =	vshll.u32 v16, $0x7;
	v13 =	vmul.f32 v53, v51;
	v14 =	vld [tilespmem:s28+$0xFFFFFE00];
	[tilespmem:$0x1FE90] =	vst v3  }
0x17f: {  	v15 =	vmin.u32 v15, $0x1F;
	v18 =	vor.u32 s0, v17;
	v3 =	vld [tilespmem:s28+$0x0];
	[tilespmem:$0x1FD90] =	vst v4;
	v4 =	vadd.f32 $9.999999970e-07, v10  }
0x180: {  	v56 =	vadd.f32 $9.999999970e-07, v7;
	v2 =	vadd.f32 v11, v2;
	v9 =	vshll.u32 v15, $0x9  }
0x181: {  	v15 =	vshll.u32 v15, $0x7;
	v1 =	vadd.f32 v12, v1;
	[tilespmem:$0x1FD70] =	vst v4;
	v4 =	vor.u32 v9, v18  }
0x182: {  	v15 =	vand.u32 $0x380, v15;
	v0 =	vadd.f32 v13, v0;
	v4 =	vor.u32 v20, v4  }
0x183: {  	v9 =	vand.u32 $0x3000, v9;
	vm1 =	vgt.s32 v8, $0x0;
	vm2 =	vgt.s32 v14, $0x0  }
0x184: {  	s31 =	simm.s32 $0x50;
	[tilespmem:$0x1FDB0] =	vst v2;
	v2 =	vnsel vm1, $0x0, v8;
	vm1 =	vgt.s32 v3, $0x0;
	v7 =	vnsel vm2, $0x0, v14  }
0x185: {  	s24 =	simm.s32 $0x40;
	s26 =	sand.u32 $0x50, s31;
	s30 =	simm.s32 $0x60;
	v8 =	vmin.u32 v2, $0x1F;
	v2 =	vnsel vm1, $0x0, v3;
	v11 =	vmin.u32 v7, $0x1F  }
0x186: {  	s29 =	sand.u32 $0x40, s24;
	s30 =	sand.u32 $0x60, s30;
	v3 =	vor.u32 s26, v17;
	v10 =	vshll.u32 v8, $0x9;
	v14 =	vmin.u32 v2, $0x1F  }
0x187: {  	v2 =	vor.u32 s29, v17;
	v18 =	vshll.u32 v11, $0x9;
	v17 =	vor.u32 s30, v17;
	v7 =	vld.idx.msk [tilespmem:v4+s20+$0x0], $0xffff  }
0x188: {  	v19 =	vshll.u32 v14, $0x9;
	v2 =	vor.u32 v10, v2;
	v3 =	vor.u32 v18, v3;
	v4 =	vld.idx.msk [tilespmem:v4+s17+$0x0], $0xffff  }
0x189: {  	v39 =	vor.u32 v20, v2;
	v17 =	vor.u32 v19, v17;
	v2 =	vshll.u32 v16, $0xA  }
0x18a: {  	v36 =	vld [tilespmem:$0x1FFC0];
	v16 =	vor.u32 s0, v22;
	v40 =	vor.u32 v20, v3;
	v42 =	vor.u32 v21, v2  }
0x18b: {  	v17 =	vor.u32 v20, v17;
	v3 =	vor.u32 v2, v16;
	v54 =	vor.u32 v16, v42  }
0x18c: {  	v3 =	vor.u32 v9, v3;
	v9 =	vor.u32 v9, v54;
	v7 =	vmul.u32 $0x3, v7  }
0x18d: {  	[tilespmem:$0x1FDD0] =	vst v1;
	v55 =	vshll.u32 v4, $0x9;
	v47 =	vor.u32 v15, v9;
	v4 =	vshll.u32 v4, $0x7  }
0x18e: {  	v15 =	vor.u32 v15, v3;
	[tilespmem:$0x1FE60] =	vst v47;
	v9 =	vand.u32 $0xFFFFF000, v55;
	v62 =	vadd.s32 $0x20, v7  }
0x18f: {  	v4 =	vand.u32 $0x380, v4;
	v43 =	vor.u32 v9, v54;
	v12 =	vld.idx.msk [tilespmem:v39+s17+$0x0], $0xffff;
	[tilespmem:$0x1FDE0] =	vst v0;
	v0 =	vor.u32 v36, v15  }
0x190: {  	v9 =	vadd.s32 v2, v9;
	v43 =	vor.u32 v4, v43;
	v13 =	vld.idx.msk [tilespmem:v40+s17+$0x0], $0xffff;
	[tilespmem:$0x1FE70] =	vst v0  }
0x191: {  	v4 =	vor.u32 v4, v9;
	v9 =	vadd.s32 $0x22, v7;
	v45 =	vld.idx.msk [tilespmem:v17+s17+$0x0], $0xffff  }
0x192: {  	v49 =	vld.idx.msk [tilespmem:v47+s2+$0x0], $0xffff  }
0x193: {  	v4 =	vor.u32 v16, v4;
	v16 =	vld.idx.msk [tilespmem:v62+s13+$0x0], $0xffff  }
0x194: {  	v51 =	vld.idx.msk [tilespmem:v0+s2+$0x0], $0xffff;
	v0 =	vor.u32 v59, v15  }
0x195: {  	v63 =	vadd.s32 $0x21, v7;
	v43 =	vld.idx.msk [tilespmem:v43+s2+$0x0], $0xffff;
	[tilespmem:$0x1FE80] =	vst v0  }
0x196: {  	v44 =	vadd.s32 v36, v4;
	v4 =	vadd.s32 v59, v4;
	v9 =	vld.idx.msk [tilespmem:v9+s13+$0x0], $0xffff;
	_ =	sdelay $0x1  }
0x197: {  	v62 =	vmul.f32 v49, v58  }
0x198: {  	v1 =	vmul.f32 v49, v28;
	v49 =	vmul.f32 v49, v30  }
0x199: {  	v46 =	vld.idx.msk [tilespmem:v63+s13+$0x0], $0xffff  }
0x19a: {  	v9 =	vadd.f32 v9, v49;
	v49 =	vld.idx.msk [tilespmem:v4+s2+$0x0], $0xffff  }
0x19b: {  	v4 =	vld [tilespmem:$0x1FEE0];
	_ =	sdelay $0x2  }
0x19c: {  	v1 =	vadd.f32 v46, v1;
	v46 =	vmul.f32 v43, v29;
	_ =	sdelay $0x1  }
0x19d: {  	v37 =	vld [tilespmem:$0x1FEB0];
	v1 =	vadd.f32 v1, v46;
	v4 =	vmul.f32 v51, v4  }
0x19e: {  	v44 =	vld.idx.msk [tilespmem:v44+s2+$0x0], $0xffff  }
0x19f: {  	v1 =	vadd.f32 v1, v4;
	v4 =	vld [tilespmem:$0x1FEF0];
	_ =	sdelay $0x1  }
0x1a0: {  	v38 =	vld [tilespmem:$0x1FEC0]  }
0x1a1: {  	v16 =	vadd.f32 v16, v62;
	v55 =	vmul.f32 v43, v23  }
0x1a2: {  	v0 =	vld.idx.msk [tilespmem:v0+s2+$0x0], $0xffff  }
0x1a3: {  	v16 =	vadd.f32 v16, v55;
	v55 =	vmul.f32 v51, v37;
	v4 =	vmul.f32 v44, v4  }
0x1a4: {  	v35 =	vld [tilespmem:$0x1FED0]  }
0x1a5: {  	v62 =	vmul.f32 v44, v38;
	v16 =	vadd.f32 v16, v55;
	v1 =	vadd.f32 v1, v4;
	v4 =	vld [tilespmem:$0x1FF00]  }
0x1a6: {  	v48 =	vor.u32 s26, v22;
	v41 =	vor.u32 s29, v22  }
0x1a7: {  	v8 =	vshll.u32 v8, $0x7;
	v55 =	vmul.f32 v0, v33;
	v16 =	vadd.f32 v16, v62  }
0x1a8: {  	v11 =	vshll.u32 v11, $0x7;
	v52 =	vand.u32 $0x3000, v10;
	v14 =	vshll.u32 v14, $0x7  }
0x1a9: {  	v11 =	vand.u32 $0x380, v11;
	v62 =	vmul.f32 v49, v35;
	v16 =	vadd.f32 v16, v55  }
0x1aa: {  	v19 =	vand.u32 $0x3000, v19;
	v14 =	vand.u32 $0x380, v14;
	v4 =	vmul.f32 v0, v4  }
0x1ab: {  	v50 =	vor.u32 v41, v42;
	v43 =	vmul.f32 v43, v31;
	v55 =	vadd.f32 v16, v62  }
0x1ac: {  	v7 =	vor.u32 s30, v22;
	v47 =	vand.u32 $0x3000, v18;
	v1 =	vadd.f32 v1, v4;
	v4 =	vld [tilespmem:$0x1FF10]  }
0x1ad: {  	v34 =	vld [tilespmem:$0x1FF20];
	v46 =	vmul.f32 v51, v61;
	v9 =	vadd.f32 v9, v43;
	v51 =	vand.u32 $0x7FFFFFFF, v55  }
0x1ae: {  	v15 =	vor.u32 v48, v42;
	v42 =	vor.u32 v7, v42;
	v16 =	vld.idx.msk [tilespmem:v39+s20+$0x0], $0xffff;
	v39 =	vsub.f32 $0.0e+00, v51  }
0x1af: {  	v53 =	vshll.u32 v12, $0x9;
	v9 =	vadd.f32 v9, v46;
	v44 =	vmul.f32 v44, v60  }
0x1b0: {  	v12 =	vshll.u32 v12, $0x7;
	v46 =	vand.u32 $0x380, v8;
	v39 =	vmul.f32 $1.442695020e+00, v39  }
0x1b1: {  	v9 =	vadd.f32 v9, v44;
	v0 =	vmul.f32 v0, v6;
	v8 =	vmul.f32 v49, v4  }
0x1b2: {  	v54 =	vshll.u32 v13, $0x9;
	v10 =	vor.u32 v47, v15;
	(erf) = vpow2.f32 v39  }
0x1b3: {  	v0 =	vadd.f32 v9, v0;
	v9 =	vmul.f32 v49, v34;
	v8 =	vadd.f32 v1, v8  }
0x1b4: {  	v18 =	vor.u32 v19, v42;
	v13 =	vshll.u32 v13, $0x7;
	v63 =	vor.u32 v52, v50  }
0x1b5: {  	v9 =	vadd.f32 v0, v9;
	v1 =	vld.idx.msk [tilespmem:v40+s20+$0x0], $0xffff;
	v40 =	vand.u32 $0xFFFFF000, v53;
	v53 =	vand.u32 $0x7FFFFFFF, v8  }
0x1b6: {  	v3 =	vshll.u32 v45, $0x9;
	v45 =	vshll.u32 v45, $0x7;
	v43 =	vsub.f32 $0.0e+00, v53  }
0x1b7: {  	v3 =	vand.u32 $0xFFFFF000, v3;
	v0 =	vld.idx.msk [tilespmem:v17+s20+$0x0], $0xffff;
	v17 =	vand.u32 $0xFFFFF000, v54;
	v54 =	vand.u32 $0x7FFFFFFF, v9  }
0x1b8: {  	v44 =	vsub.f32 $0.0e+00, v54;
	v4 =	vor.u32 v11, v10;
	v43 =	vmul.f32 $1.442695020e+00, v43  }
0x1b9: {  	v10 =	vor.u32 v17, v15;
	v15 =	vor.u32 v3, v42;
	v42 =	vand.u32 $0x380, v45  }
0x1ba: {  	v45 =	vor.u32 v2, v48;
	v62 =	vmul.f32 $1.442695020e+00, v44;
	(erf) = vpow2.f32 v43  }
0x1bb: {  	v16 =	vmul.u32 $0x3, v16;
	v45 =	vor.u32 v47, v45;
	v44 =	vor.u32 v14, v18  }
0x1bc: {  	v47 =	vpop (erf);
	v18 =	vand.u32 $0x380, v12;
	v12 =	vor.u32 v2, v41;
	(erf) = vpow2.f32 v62  }
0x1bd: {  	v13 =	vand.u32 $0x380, v13;
	v12 =	vor.u32 v52, v12;
	v52 =	vmul.f32 $1.420285930e-02, v47  }
0x1be: {  	v24 =	vor.u32 v46, v63;
	v55 =	vmax.f32 v55, $0.0e+00;
	v51 =	vadd.s32 $0x21, v16  }
0x1bf: {  	v17 =	vadd.s32 v2, v17;
	v52 =	vadd.f32 $-6.658820810e-02, v52;
	v43 =	vmovc v57;
	v57 =	vor.u32 v2, v7  }
0x1c0: {  	v3 =	vadd.s32 v2, v3;
	v10 =	vor.u32 v13, v10;
	v19 =	vor.u32 v19, v57  }
0x1c1: {  	v17 =	vor.u32 v13, v17;
	v13 =	vor.u32 v14, v19;
	v14 =	vmul.f32 v52, v47  }
0x1c2: {  	v53 =	vmul.u32 $0x3, v0;
	v0 =	vor.u32 v40, v50;
	v40 =	vadd.s32 v2, v40  }
0x1c3: {  	v50 =	vor.u32 v18, v0;
	v0 =	vadd.s32 $0x20, v16;
	v14 =	vadd.f32 $1.494348350e-01, v14;
	v49 =	vpop (erf)  }
0x1c4: {  	v1 =	vmul.u32 $0x3, v1;
	v57 =	vor.u32 v11, v45;
	v45 =	vmul.f32 $1.420285930e-02, v49  }
0x1c5: {  	[tilespmem:$0x1FD50] =	vst v24;
	v12 =	vor.u32 v46, v12;
	v18 =	vor.u32 v18, v40;
	v14 =	vmul.f32 v14, v47;
	v46 =	vpop (erf)  }
0x1c6: {  	v54 =	vadd.s32 $0x20, v1;
	v2 =	vmul.f32 $1.420285930e-02, v46;
	v40 =	vadd.f32 $-6.658820810e-02, v45;
	v45 =	vld.idx.msk [tilespmem:v24+s2+$0x0], $0xffff;
	[tilespmem:$0x1FD60] =	vst v4  }
0x1c7: {  	v9 =	vmax.f32 v9, $0.0e+00;
	v62 =	vadd.s32 $0x21, v1;
	v14 =	vadd.f32 $-2.351488170e-01, v14;
	v19 =	vld.idx.msk [tilespmem:v4+s2+$0x0], $0xffff  }
0x1c8: {  	v15 =	vor.u32 v42, v15;
	v42 =	vor.u32 v42, v3;
	v2 =	vadd.f32 $-6.658820810e-02, v2;
	v0 =	vld.idx.msk [tilespmem:v0+s13+$0x0], $0xffff  }
0x1c9: {  	v17 =	vor.u32 v48, v17;
	v16 =	vadd.s32 $0x22, v16;
	v14 =	vmul.f32 v14, v47;
	v3 =	vld.idx.msk [tilespmem:v44+s2+$0x0], $0xffff  }
0x1ca: {  	v63 =	vadd.s32 $0x20, v53;
	v18 =	vor.u32 v41, v18;
	v41 =	vld.idx.msk [tilespmem:v51+s13+$0x0], $0xffff;
	v2 =	vmul.f32 v2, v46  }
0x1cb: {  	v11 =	vor.u32 v7, v42;
	v51 =	vld.idx.msk [tilespmem:v54+s13+$0x0], $0xffff;
	v40 =	vmul.f32 v40, v49;
	v14 =	vadd.f32 $3.311205800e-01, v14  }
0x1cc: {  	v52 =	vadd.s32 $0x21, v53;
	v53 =	vadd.s32 $0x22, v53;
	v42 =	vld.idx.msk [tilespmem:v62+s13+$0x0], $0xffff;
	v48 =	vadd.f32 $1.494348350e-01, v2  }
0x1cd: {  	v62 =	vld.idx.msk [tilespmem:v50+s2+$0x0], $0xffff;
	v40 =	vadd.f32 $1.494348350e-01, v40;
	v14 =	vmul.f32 v14, v47;
	v7 =	vmul.f32 v45, v58  }
0x1ce: {  	v24 =	vor.u32 v36, v57;
	v16 =	vld.idx.msk [tilespmem:v16+s13+$0x0], $0xffff;
	v54 =	vmul.f32 v45, v28;
	v48 =	vmul.f32 v48, v46  }
0x1cf: {  	v4 =	vadd.s32 $0x22, v1;
	v45 =	vmul.f32 v45, v30;
	v40 =	vmul.f32 v40, v49  }
0x1d0: {  	v50 =	vmul.f32 v19, v58;
	v14 =	vadd.f32 $-4.998719390e-01, v14;
	v48 =	vadd.f32 $-2.351488170e-01, v48  }
0x1d1: {  	v1 =	vadd.f32 v0, v7;
	v41 =	vadd.f32 v41, v54;
	v54 =	vmul.f32 v3, v58  }
0x1d2: {  	v52 =	vld.idx.msk [tilespmem:v52+s13+$0x0], $0xffff;
	v58 =	vmul.f32 v62, v23;
	v7 =	vadd.f32 $-2.351488170e-01, v40;
	v48 =	vmul.f32 v48, v46  }
0x1d3: {  	v16 =	vadd.f32 v16, v45;
	v40 =	vld.idx.msk [tilespmem:v63+s13+$0x0], $0xffff;
	v63 =	vmul.f32 v19, v28;
	v0 =	vadd.f32 v51, v50  }
0x1d4: {  	v10 =	vld.idx.msk [tilespmem:v10+s2+$0x0], $0xffff;
	v50 =	vmul.f32 v3, v28;
	v7 =	vmul.f32 v7, v49;
	v48 =	vadd.f32 $3.311205800e-01, v48  }
0x1d5: {  	v28 =	vmovc v56;
	v56 =	vmul.f32 v62, v29;
	v51 =	vor.u32 v36, v12;
	v14 =	vmul.f32 v14, v47  }
0x1d6: {  	v19 =	vmul.f32 v19, v30;
	v7 =	vadd.f32 $3.311205800e-01, v7;
	v48 =	vmul.f32 v48, v46  }
0x1d7: {  	v3 =	vmul.f32 v3, v30;
	v62 =	vmul.f32 v62, v31;
	v1 =	vadd.f32 v1, v58  }
0x1d8: {  	v4 =	vld.idx.msk [tilespmem:v4+s13+$0x0], $0xffff;
	v42 =	vadd.f32 v42, v63;
	v7 =	vmul.f32 v7, v49;
	v48 =	vadd.f32 $-4.998719390e-01, v48  }
0x1d9: {  	v58 =	vmul.f32 v10, v23;
	v52 =	vadd.f32 v52, v50;
	v41 =	vadd.f32 v41, v56  }
0x1da: {  	v15 =	vld.idx.msk [tilespmem:v15+s2+$0x0], $0xffff;
	v63 =	vmul.f32 v10, v29;
	v7 =	vadd.f32 $-4.998719390e-01, v7;
	v48 =	vmul.f32 v48, v46  }
0x1db: {  	v14 =	vadd.f32 $9.999987480e-01, v14;
	v50 =	vor.u32 v36, v13;
	v16 =	vadd.f32 v16, v62  }
0x1dc: {  	v0 =	vadd.f32 v0, v58;
	v7 =	vmul.f32 v7, v49;
	v48 =	vadd.f32 $9.999987480e-01, v48  }
0x1dd: {  	v53 =	vld.idx.msk [tilespmem:v53+s13+$0x0], $0xffff;
	v10 =	vmul.f32 v10, v31;
	v4 =	vadd.f32 v4, v19;
	v2 =	vadd.f32 v42, v63  }
0x1de: {  	v39 =	vld [tilespmem:$0x1FEE0];
	v14 =	vmul.f32 v14, v47;
	v7 =	vadd.f32 $9.999987480e-01, v7;
	v46 =	vmul.f32 v48, v46  }
0x1df: {  	v8 =	vmax.f32 v8, $0.0e+00;
	v42 =	vmul.f32 v15, v23;
	v54 =	vadd.f32 v40, v54;
	v48 =	vld.idx.msk [tilespmem:v51+s2+$0x0], $0xffff;
	[tilespmem:$0x1FD80] =	vst v24  }
0x1e0: {  	v4 =	vadd.f32 v4, v10;
	v7 =	vmul.f32 v7, v49;
	v9 =	vadd.f32 v46, v9;
	v46 =	vld.idx.msk [tilespmem:v24+s2+$0x0], $0xffff  }
0x1e1: {  	v47 =	vadd.s32 v36, v18;
	v14 =	vadd.f32 v14, v55;
	v54 =	vadd.f32 v54, v42  }
0x1e2: {  	v18 =	vadd.s32 v59, v18;
	v42 =	vadd.f32 v53, v3;
	v3 =	vld [tilespmem:$0x1FDA0];
	v7 =	vadd.f32 v7, v8  }
0x1e3: {  	v55 =	vadd.f32 $9.999999970e-07, v14;
	v49 =	vadd.s32 v36, v17;
	v8 =	vmul.f32 v15, v29  }
0x1e4: {  	v40 =	vld [tilespmem:$0x1FEF0];
	v17 =	vadd.s32 v59, v17;
	v7 =	vadd.f32 $9.999999970e-07, v7;
	v58 =	vmul.f32 v48, v37  }
0x1e5: {  	v63 =	vld.idx.msk [tilespmem:v50+s2+$0x0], $0xffff;
	v8 =	vadd.f32 v52, v8;
	v9 =	vadd.f32 $9.999999970e-07, v9;
	v53 =	vmul.f32 v46, v39  }
0x1e6: {  	v56 =	vld.idx.msk [tilespmem:v47+s2+$0x0], $0xffff;
	v52 =	vadd.s32 v36, v11;
	v14 =	vadd.f32 v7, v55;
	v1 =	vadd.f32 v1, v58  }
0x1e7: {  	v15 =	vmul.f32 v15, v31;
	v58 =	vadd.f32 $9.999999970e-07, v3;
	v3 =	vadd.f32 v2, v53;
	v2 =	vld [tilespmem:$0x1FE90]  }
0x1e8: {  	v31 =	vor.u32 v59, v13;
	v49 =	vld.idx.msk [tilespmem:v49+s2+$0x0], $0xffff;
	v19 =	vmul.f32 v48, v39;
	v53 =	vor.u32 v59, v12  }
0x1e9: {  	v15 =	vadd.f32 v42, v15;
	v14 =	vadd.f32 v9, v14;
	v45 =	vmul.f32 v46, v37  }
0x1ea: {  	v23 =	vld [tilespmem:$0x1FDB0];
	v48 =	vmul.f32 v48, v61;
	v47 =	vmul.f32 v63, v37;
	v19 =	vadd.f32 v41, v19  }
0x1eb: {  	s25 =	simm.s32 $0x180A0;
	v52 =	vld.idx.msk [tilespmem:v52+s2+$0x0], $0xffff;
	(erf) = vrcp.f32 v14;
	v0 =	vadd.f32 v0, v45;
	v45 =	vmul.f32 v63, v39  }
0x1ec: {  	v14 =	vadd.f32 v43, v2;
	v2 =	vadd.f32 v54, v47;
	v47 =	vld [tilespmem:s25+$0x10];
	v54 =	vor.u32 v59, v57  }
0x1ed: {  	v13 =	vmul.f32 v49, v40;
	v8 =	vadd.f32 v8, v45;
	v45 =	vmul.f32 v56, v38;
	v62 =	vld.idx.msk [tilespmem:v53+s2+$0x0], $0xffff  }
0x1ee: {  	v16 =	vadd.f32 v16, v48;
	v10 =	vadd.f32 v58, v28;
	v57 =	vmul.f32 v56, v40  }
0x1ef: {  	v18 =	vld.idx.msk [tilespmem:v18+s2+$0x0], $0xffff;
	v11 =	vadd.s32 v59, v11;
	v3 =	vadd.f32 v3, v13;
	v1 =	vadd.f32 v1, v45  }
0x1f0: {  	v41 =	vld [tilespmem:$0x1FF00];
	v45 =	vmul.f32 v49, v38;
	v13 =	vmul.f32 v52, v40;
	v19 =	vadd.f32 v19, v57  }
0x1f1: {  	v24 =	vadd.f32 $9.999999970e-07, v23;
	vm8 =	vlt.s32 v5, v47;
	v47 =	vmovc v58;
	v58 =	vmul.f32 v52, v38;
	v57 =	vld.idx.msk [tilespmem:v54+s2+$0x0], $0xffff  }
0x1f2: {  	v0 =	vadd.f32 v0, v45;
	v45 =	vmul.f32 v46, v61;
	v46 =	vmul.f32 v62, v33;
	[tilespmem:$0x1FDC0] =	vst v31  }
0x1f3: {  	v63 =	vmul.f32 v63, v61;
	v8 =	vadd.f32 v8, v13;
	v2 =	vadd.f32 v2, v58;
	v58 =	vld.idx.msk [tilespmem:v31+s2+$0x0], $0xffff  }
0x1f4: {  	v42 =	vld [tilespmem:$0x1FF10];
	v13 =	vadd.f32 v4, v45;
	v45 =	vmul.f32 v18, v35;
	v4 =	vpop (erf);
	v1 =	vadd.f32 v1, v46  }
0x1f5: {  	v48 =	vadd.f32 v15, v63;
	v15 =	vmul.f32 v4, v7;
	v7 =	vmul.f32 v62, v41;
	v17 =	vld.idx.msk [tilespmem:v17+s2+$0x0], $0xffff  }
0x1f6: {  	v63 =	vmul.f32 v4, v55;
	v45 =	vadd.f32 v1, v45;
	v1 =	vmul.f32 v57, v33  }
0x1f7: {  	v46 =	vmul.f32 v4, v9;
	v7 =	vadd.f32 v19, v7;
	v4 =	vmul.f32 v57, v41  }
0x1f8: {  	v9 =	vand.u32 $0x7FFFFFFF, v45;
	v19 =	vmul.f32 v58, v33;
	v0 =	vadd.f32 v0, v1  }
0x1f9: {  	v30 =	vld [tilespmem:$0x1FD90];
	v1 =	vsub.f32 $0.0e+00, v9;
	v33 =	vadd.f32 v3, v4;
	v3 =	vmul.f32 v18, v42  }
0x1fa: {  	v29 =	vld [tilespmem:$0x1FD70];
	v49 =	vmul.f32 v49, v60;
	v2 =	vadd.f32 v2, v19;
	v19 =	vmul.f32 v17, v35  }
0x1fb: {  	v9 =	vld.idx.msk [tilespmem:v11+s2+$0x0], $0xffff;
	v11 =	vmul.f32 v58, v41;
	v1 =	vmul.f32 $1.442695020e+00, v1;
	v4 =	vadd.f32 v7, v3  }
0x1fc: {  	v59 =	vmul.f32 v56, v60;
	v52 =	vmul.f32 v52, v60;
	v3 =	vadd.f32 v0, v19  }
0x1fd: {  	v7 =	vadd.f32 v8, v11;
	(erf) = vpow2.f32 v1;
	v1 =	vand.u32 $0x7FFFFFFF, v4  }
0x1fe: {  	v23 =	vld [tilespmem:$0x1FDD0];
	v8 =	vadd.f32 v13, v49;
	v1 =	vsub.f32 $0.0e+00, v1;
	v13 =	vand.u32 $0x7FFFFFFF, v3  }
0x1ff: {  	v60 =	vmul.f32 v62, v6;
	v57 =	vmul.f32 v57, v6;
	v13 =	vsub.f32 $0.0e+00, v13  }
0x200: {  	v12 =	vadd.f32 v29, v30;
	v61 =	vmul.f32 v58, v6;
	v1 =	vmul.f32 $1.442695020e+00, v1  }
0x201: {  	v16 =	vadd.f32 v16, v59;
	v18 =	vmul.f32 v18, v34;
	v13 =	vmul.f32 $1.442695020e+00, v13  }
0x202: {  	v48 =	vadd.f32 v48, v52;
	v11 =	vmul.f32 v9, v35;
	(erf) = vpow2.f32 v1  }
0x203: {  	v49 =	vmovc v24;
	v24 =	vadd.f32 $9.999999970e-07, v23;
	v19 =	vmul.f32 v9, v42;
	(erf) = vpow2.f32 v13  }
0x204: {  	v0 =	vmul.f32 v17, v42;
	v8 =	vadd.f32 v8, v57;
	v1 =	vadd.f32 v2, v11  }
0x205: {  	v9 =	vmul.f32 v9, v34;
	v2 =	vadd.f32 v7, v19;
	v7 =	vadd.f32 v16, v60  }
0x206: {  	v0 =	vadd.f32 v33, v0;
	v11 =	vmul.f32 v17, v34;
	v13 =	vadd.f32 v48, v61;
	v17 =	vpop (erf)  }
0x207: {  	v7 =	vadd.f32 v7, v18;
	v18 =	vand.u32 $0x7FFFFFFF, v1;
	v19 =	vmul.f32 $1.420285930e-02, v17  }
0x208: {  	v16 =	vand.u32 $0x7FFFFFFF, v0;
	v18 =	vsub.f32 $0.0e+00, v18;
	v9 =	vadd.f32 v13, v9  }
0x209: {  	v62 =	vand.u32 $0x7FFFFFFF, v2;
	v13 =	vsub.f32 $0.0e+00, v16;
	v16 =	vadd.f32 $-6.658820810e-02, v19  }
0x20a: {  	v8 =	vadd.f32 v8, v11;
	v48 =	vsub.f32 $0.0e+00, v62  }
0x20b: {  	v11 =	vand.u32 $0x7FFFFFFF, v7;
	v18 =	vmul.f32 $1.442695020e+00, v18;
	v16 =	vmul.f32 v16, v17;
	v55 =	vpop (erf)  }
0x20c: {  	v11 =	vsub.f32 $0.0e+00, v11;
	v48 =	vmul.f32 $1.442695020e+00, v48;
	v13 =	vmul.f32 $1.442695020e+00, v13;
	v57 =	vpop (erf)  }
0x20d: {  	v33 =	vmovc v34;
	v34 =	vand.u32 $0x7FFFFFFF, v9;
	v16 =	vadd.f32 $1.494348350e-01, v16;
	v61 =	vmul.f32 $1.420285930e-02, v57  }
0x20e: {  	v19 =	vand.u32 $0x7FFFFFFF, v8;
	v52 =	vsub.f32 $0.0e+00, v34;
	(erf) = vpow2.f32 v13  }
0x20f: {  	v11 =	vmul.f32 $1.442695020e+00, v11;
	v16 =	vmul.f32 v16, v17;
	v13 =	vadd.f32 $-6.658820810e-02, v61  }
0x210: {  	v6 =	vld [tilespmem:$0x1FDE0];
	v19 =	vsub.f32 $0.0e+00, v19;
	v62 =	vmul.f32 $1.442695020e+00, v52;
	(erf) = vpow2.f32 v18  }
0x211: {  	(erf) = vpow2.f32 v48;
	v16 =	vadd.f32 $-2.351488170e-01, v16;
	v13 =	vmul.f32 v13, v57  }
0x212: {  	v19 =	vmul.f32 $1.442695020e+00, v19;
	(erf) = vpow2.f32 v11  }
0x213: {  	v11 =	vadd.f32 v24, v12;
	v16 =	vmul.f32 v16, v17;
	v12 =	vadd.f32 $1.494348350e-01, v13;
	v13 =	vld [tilespmem:s25+$0x0]  }
0x214: {  	v14 =	vadd.f32 v49, v14;
	(erf) = vpow2.f32 v19  }
0x215: {  	v23 =	vadd.f32 $9.999999970e-07, v6;
	(erf) = vpow2.f32 v62;
	v16 =	vadd.f32 $3.311205800e-01, v16  }
0x216: {  	(erf) = vrcp.f32 v14  }
0x217: {  	v10 =	vadd.f32 v23, v10;
	(erf) = vrcp.f32 v11;
	v11 =	vpop (erf);
	v16 =	vmul.f32 v16, v17  }
0x218: {  	v60 =	vmul.f32 $1.420285930e-02, v55;
	vm7 =	vlt.s32 v5, v13;
	v13 =	vmul.f32 $1.420285930e-02, v11  }
0x219: {  	v16 =	vadd.f32 $-4.998719390e-01, v16  }
0x21a: {  	v56 =	vadd.f32 $-6.658820810e-02, v60;
	v13 =	vadd.f32 $-6.658820810e-02, v13  }
0x21b: {  	v16 =	vmul.f32 v16, v17  }
0x21c: {  	(erf) = vrcp.f32 v10;
	v10 =	vpop (erf);
	v13 =	vmul.f32 v13, v11  }
0x21d: {  	v19 =	vpop (erf);
	v16 =	vadd.f32 $9.999987480e-01, v16  }
0x21e: {  	v18 =	vmul.f32 v56, v55;
	v56 =	vpop (erf);
	v13 =	vadd.f32 $1.494348350e-01, v13  }
0x21f: {  	v59 =	vpop (erf);
	v16 =	vmul.f32 v16, v17  }
0x220: {  	v18 =	vadd.f32 $1.494348350e-01, v18;
	v17 =	vmul.f32 $1.420285930e-02, v59;
	v13 =	vmul.f32 v13, v11;
	_ =	sdelay $0x1  }
0x221: {  	v18 =	vmul.f32 v18, v55;
	v17 =	vadd.f32 $-6.658820810e-02, v17;
	v13 =	vadd.f32 $-2.351488170e-01, v13  }
0x222: {  	v12 =	vmul.f32 v12, v57  }
0x223: {  	v18 =	vadd.f32 $-2.351488170e-01, v18;
	v17 =	vmul.f32 v17, v59;
	v13 =	vmul.f32 v13, v11  }
0x224: {  	v12 =	vadd.f32 $-2.351488170e-01, v12  }
0x225: {  	v14 =	vmul.f32 v18, v55;
	v17 =	vadd.f32 $1.494348350e-01, v17;
	v13 =	vadd.f32 $3.311205800e-01, v13  }
0x226: {  	v12 =	vmul.f32 v12, v57  }
0x227: {  	v14 =	vadd.f32 $3.311205800e-01, v14;
	v17 =	vmul.f32 v17, v59;
	v13 =	vmul.f32 v13, v11  }
0x228: {  	v12 =	vadd.f32 $3.311205800e-01, v12  }
0x229: {  	v14 =	vmul.f32 v14, v55;
	v17 =	vadd.f32 $-2.351488170e-01, v17;
	v13 =	vadd.f32 $-4.998719390e-01, v13  }
0x22a: {  	v12 =	vmul.f32 v12, v57  }
0x22b: {  	v14 =	vadd.f32 $-4.998719390e-01, v14;
	v17 =	vmul.f32 v17, v59;
	v13 =	vmul.f32 v13, v11  }
0x22c: {  	v18 =	vmul.f32 $1.420285930e-02, v10;
	v12 =	vadd.f32 $-4.998719390e-01, v12  }
0x22d: {  	v14 =	vmul.f32 v14, v55;
	v17 =	vadd.f32 $3.311205800e-01, v17;
	v13 =	vadd.f32 $9.999987480e-01, v13  }
0x22e: {  	v18 =	vadd.f32 $-6.658820810e-02, v18;
	v12 =	vmul.f32 v12, v57  }
0x22f: {  	v14 =	vadd.f32 $9.999987480e-01, v14;
	v13 =	vmul.f32 v13, v11;
	v11 =	vmul.f32 v17, v59  }
0x230: {  	v18 =	vmul.f32 v18, v10  }
0x231: {  	v12 =	vadd.f32 $9.999987480e-01, v12;
	v14 =	vmul.f32 v14, v55;
	v11 =	vadd.f32 $-4.998719390e-01, v11  }
0x232: {  	v4 =	vmax.f32 v4, $0.0e+00;
	v34 =	vld [tilespmem:s25+$0xFFFFFFE0];
	v18 =	vadd.f32 $1.494348350e-01, v18  }
0x233: {  	v60 =	vld [tilespmem:s25+$0xFFFFFFF0];
	v12 =	vmul.f32 v12, v57;
	v14 =	vadd.f32 v14, v4;
	v4 =	vmul.f32 v11, v59  }
0x234: {  	v3 =	vmax.f32 v3, $0.0e+00  }
0x235: {  	v18 =	vmul.f32 v18, v10;
	v11 =	vadd.f32 v12, v3;
	v3 =	vadd.f32 $9.999987480e-01, v4;
	v4 =	vld [tilespmem:$0x1FE00];
	_ =	sdelay $0x1  }
0x236: {  	v18 =	vadd.f32 $-2.351488170e-01, v18  }
0x237: {  	vm1 =	vlt.s32 v5, v34;
	vm2 =	vlt.s32 v5, v60;
	[tilespmem:$0x1FDF0] =	vst v5;
	v5 =	vld [tilespmem:$0x1FE10]  }
0x238: {  	v18 =	vmul.f32 v18, v10;
	_ =	sdelay $0x1  }
0x239: {  	v18 =	vadd.f32 $3.311205800e-01, v18;
	_ =	sdelay $0x1  }
0x23a: {  	v18 =	vmul.f32 v18, v10;
	[tilespmem:v4+s2+$0x0] =	vst.idx.msk vm4, v5  }
0x23b: {  	v5 =	vld [tilespmem:$0x1FE20]  }
0x23c: {  	v61 =	vmul.f32 $1.420285930e-02, v19;
	v18 =	vadd.f32 $-4.998719390e-01, v18;
	_ =	sdelay $0x1  }
0x23d: {  	v48 =	vadd.f32 $-6.658820810e-02, v61;
	v18 =	vmul.f32 v18, v10;
	v6 =	vld [tilespmem:$0x1FE30];
	_ =	sdelay $0x1  }
0x23e: {  	v48 =	vmul.f32 v48, v19;
	v18 =	vadd.f32 $9.999987480e-01, v18;
	_ =	sdelay $0x1  }
0x23f: {  	v0 =	vmax.f32 v0, $0.0e+00;
	v48 =	vadd.f32 $1.494348350e-01, v48;
	v18 =	vmul.f32 v18, v10  }
0x240: {  	v4 =	vadd.f32 v13, v0;
	v0 =	vmax.f32 v1, $0.0e+00;
	[tilespmem:v5+s2+$0x0] =	vst.idx.msk vm4, v6  }
0x241: {  	v48 =	vmul.f32 v48, v19;
	v12 =	vadd.f32 v18, v0;
	v0 =	vld [tilespmem:$0x1FE40];
	_ =	sdelay $0x1  }
0x242: {  	v48 =	vadd.f32 $-2.351488170e-01, v48  }
0x243: {  	v5 =	vld [tilespmem:$0x1FE50]  }
0x244: {  	v48 =	vmul.f32 v48, v19;
	_ =	sdelay $0x1  }
0x245: {  	v48 =	vadd.f32 $3.311205800e-01, v48;
	_ =	sdelay $0x1  }
0x246: {  	v48 =	vmul.f32 v48, v19;
	[tilespmem:v0+s2+$0x0] =	vst.idx.msk vm4, v5  }
0x247: {  	v0 =	vmax.f32 v2, $0.0e+00;
	v2 =	vld [tilespmem:$0x1FE60]  }
0x248: {  	v48 =	vadd.f32 $-4.998719390e-01, v48;
	_ =	sdelay $0x1  }
0x249: {  	v48 =	vmul.f32 v48, v19  }
0x24a: {  	v34 =	vpop (erf)  }
0x24b: {  	v60 =	vmul.f32 $1.420285930e-02, v34;
	v17 =	vadd.f32 $9.999987480e-01, v48  }
0x24c: {  	v62 =	vmul.f32 $1.420285930e-02, v56  }
0x24d: {  	v57 =	vadd.f32 $-6.658820810e-02, v60;
	v17 =	vmul.f32 v17, v19  }
0x24e: {  	v58 =	vadd.f32 $-6.658820810e-02, v62;
	[tilespmem:v2+s2+$0x0] =	vst.idx.msk vm8, v63  }
0x24f: {  	v57 =	vmul.f32 v57, v34;
	v63 =	vmax.f32 v7, $0.0e+00;
	v7 =	vadd.f32 v17, v0;
	v0 =	vld [tilespmem:$0x1FE70]  }
0x250: {  	v58 =	vmul.f32 v58, v56  }
0x251: {  	v57 =	vadd.f32 $1.494348350e-01, v57  }
0x252: {  	v58 =	vadd.f32 $1.494348350e-01, v58  }
0x253: {  	v57 =	vmul.f32 v57, v34  }
0x254: {  	v58 =	vmul.f32 v58, v56  }
0x255: {  	v57 =	vadd.f32 $-2.351488170e-01, v57  }
0x256: {  	v58 =	vadd.f32 $-2.351488170e-01, v58  }
0x257: {  	v57 =	vmul.f32 v57, v34;
	[tilespmem:v0+s2+$0x0] =	vst.idx.msk vm8, v15  }
0x258: {  	v58 =	vmul.f32 v58, v56;
	v0 =	vld [tilespmem:$0x1FE80]  }
0x259: {  	v10 =	vadd.f32 $3.311205800e-01, v57  }
0x25a: {  	v58 =	vadd.f32 $3.311205800e-01, v58  }
0x25b: {  	v62 =	vmul.f32 v10, v34  }
0x25c: {  	v58 =	vmul.f32 v58, v56;
	v19 =	vmax.f32 v45, $0.0e+00  }
0x25d: {  	v16 =	vadd.f32 v16, v19;
	v19 =	vadd.f32 $-4.998719390e-01, v62  }
0x25e: {  	v58 =	vadd.f32 $-4.998719390e-01, v58  }
0x25f: {  	v1 =	vmul.f32 v19, v34  }
0x260: {  	v61 =	vmul.f32 v58, v56;
	[tilespmem:v0+s2+$0x0] =	vst.idx.msk vm8, v46  }
0x261: {  	v1 =	vadd.f32 $9.999987480e-01, v1;
	v5 =	vld [tilespmem:$0x1FE90]  }
0x262: {  	v10 =	vadd.f32 $9.999987480e-01, v61  }
0x263: {  	vm6 =	vmmov vm6;
	vm5 =	vmmov vm5;
	vm3 =	vmmov vm3  }
0x264: {  	v52 =	vmov v24;
	v10 =	vmul.f32 v10, v56;
	v56 =	vpop (erf);
	v62 =	vmax.f32 v8, $0.0e+00  }
0x265: {  	v3 =	vmul.f32 v3, v59;
	v59 =	vmax.f32 v9, $0.0e+00;
	v2 =	vmul.f32 v1, v34;
	v1 =	vpop (erf)  }
0x266: {  	s28 =	sadd.s32 $0x800, s28;
	s26 =	simm.s32 $0x4;
	v34 =	vpop (erf);
	v15 =	vadd.f32 $9.999999970e-07, v16;
	v0 =	vadd.f32 $9.999999970e-07, v14;
	v8 =	vmul.f32 v56, v5  }
.LBB2_15:
0x267: {  	v5 =	vld [tilespmem:$0x1FD50]  }
0x268: {  	[tilespmem:$0x1FCF0] =	vst v15;
	v15 =	vadd.f32 v0, v15  }
0x269: {  	v2 =	vadd.f32 v2, v59  }
0x26a: {  	v4 =	vadd.f32 $9.999999970e-07, v4;
	[tilespmem:$0x1FC40] =	vst v15  }
0x26b: {  	[tilespmem:$0x1FC10] =	vst v2  }
0x26c: {  	v14 =	vld [tilespmem:s28+$0xFFFFFC00];
	[tilespmem:v27+s2+$0x0] =	vst.idx.msk vm6, v8;
	v8 =	vmov v5  }
0x26d: {  	v11 =	vadd.f32 $9.999999970e-07, v11;
	v5 =	vmov v4;
	[tilespmem:$0x1FC30] =	vst v8  }
0x26e: {  	v16 =	vadd.f32 $9.999999970e-07, v12;
	v6 =	vadd.f32 $9.999999970e-07, v7;
	v12 =	vmul.f32 v1, v30;
	v4 =	vmovc v0;
	v0 =	vld [tilespmem:$0x1FD00];
	[tilespmem:$0x1FD70] =	vst v5  }
0x26f: {  	v57 =	vmov v11;
	v2 =	vmul.f32 v1, v29;
	v8 =	vld [tilespmem:s28+$0xFFFFFE00];
	[tilespmem:$0x1FBF0] =	vst v4  }
0x270: {  	v15 =	vadd.f32 v5, v57;
	v5 =	vadd.f32 v6, v16;
	v4 =	vld [tilespmem:$0x1FD20];
	[tilespmem:v25+s2+$0x0] =	vst.idx.msk vm5, v12  }
0x271: {  	[tilespmem:v32+s2+$0x0] =	vst.idx.msk vm5, v2;
	v2 =	vld [tilespmem:$0x1FD80]  }
0x272: {  	[tilespmem:$0x1FC60] =	vst v5;
	v5 =	vld [tilespmem:$0x1FD60];
	_ =	sdelay $0x1  }
0x273: {  	v9 =	vld [tilespmem:s28+$0x200]  }
0x274: {  	v13 =	vmul.f32 v56, v43  }
0x275: {  	[tilespmem:$0x1FCA0] =	vst v6  }
0x276: {  	[tilespmem:v0+s2+$0x0] =	vst.idx.msk vm6, v13;
	v6 =	vmov v5;
	v5 =	vmov v2  }
0x277: {  	vm4 =	vmmov vm3;
	s26 =	sadd.s32 $0x4, s26;
	v7 =	vmul.f32 v56, v49;
	v3 =	vadd.f32 v3, v62;
	v0 =	vmovc v51;
	[tilespmem:$0x1FC00] =	vst v5;
	v5 =	vld [tilespmem:$0x1FD30]  }
0x278: {  	vm3 =	vmmov vm7;
	s24 =	sadd.s32 $0x40, s24;
	v10 =	vadd.f32 v10, v63;
	s29 =	sshrl.u32 s26, $0x3;
	v11 =	vld [tilespmem:s28+$0x0];
	vm7 =	vgt.s32 v9, $0x0;
	[tilespmem:$0x1FD00] =	vst v0  }
0x279: {  	s31 =	sadd.s32 $0x30, s24;
	v59 =	vadd.f32 $9.999999970e-07, v3;
	v3 =	vnsel vm7, $0x0, v9;
	v0 =	vmov s29;
	[tilespmem:v4+s2+$0x0] =	vst.idx.msk vm6, v7;
	v4 =	vmovc v53  }
0x27a: {  	s31 =	sand.u32 $0x70, s31;
	v58 =	vadd.f32 $9.999999970e-07, v10;
	v3 =	vmin.u32 v3, $0x1F;
	[tilespmem:$0x1FD20] =	vst v4;
	v4 =	vshll.u32 v0, $0x7  }
0x27b: {  	v1 =	vmul.f32 v1, v52;
	v10 =	vshll.u32 v3, $0x9;
	v7 =	vor.u32 s31, v4  }
0x27c: {  	v7 =	vor.u32 v10, v7  }
0x27d: {  	vm8 =	vgt.s32 v14, $0x0;
	vm7 =	vgt.s32 v11, $0x0;
	v9 =	vor.u32 v20, v7  }
0x27e: {  	s0 =	sadd.s32 $0x10, s24;
	v3 =	vshll.u32 v3, $0x7;
	v2 =	vnsel vm8, $0x0, v14;
	vm6 =	vgt.s32 v8, $0x0  }
0x27f: {  	v3 =	vand.u32 $0x380, v3;
	s29 =	sand.u32 $0x50, s0;
	v12 =	vmin.u32 v2, $0x1F;
	v8 =	vnsel vm6, $0x0, v8;
	[tilespmem:v5+s2+$0x0] =	vst.idx.msk vm5, v1;
	v1 =	vmovc v54  }
0x280: {  	s30 =	sadd.s32 $0x20, s24;
	v2 =	vor.u32 s29, v4;
	v10 =	vand.u32 $0x3000, v10;
	[tilespmem:$0x1FD30] =	vst v1;
	v1 =	vnsel vm7, $0x0, v11  }
0x281: {  	s30 =	sand.u32 $0x60, s30;
	s0 =	sand.u32 $0x40, s24;
	v7 =	vshll.u32 v12, $0x9;
	v11 =	vmin.u32 v8, $0x1F;
	v13 =	vmin.u32 v1, $0x1F  }
0x282: {  	v17 =	vld.idx.msk [tilespmem:v9+s20+$0x0], $0xffff;
	v1 =	vor.u32 s0, v4;
	v8 =	vshll.u32 v11, $0x9;
	v4 =	vor.u32 s30, v4  }
0x283: {  	v18 =	vld.idx.msk [tilespmem:v9+s17+$0x0], $0xffff;
	v14 =	vshll.u32 v13, $0x9;
	v1 =	vor.u32 v7, v1;
	v9 =	vand.u32 $0x3000, v8  }
0x284: {  	[tilespmem:$0x1FC50] =	vst v15;
	v15 =	vor.u32 v20, v1;
	v1 =	vor.u32 v8, v2;
	v4 =	vor.u32 v14, v4  }
0x285: {  	v61 =	vld [tilespmem:$0x1FFB0];
	[tilespmem:$0x1FC80] =	vst v16;
	v16 =	vor.u32 v20, v1;
	v1 =	vshll.u32 v0, $0xA;
	v0 =	vor.u32 s31, v22  }
0x286: {  	v45 =	vld [tilespmem:$0x1FF50];
	v8 =	vand.u32 $0x3000, v14;
	v14 =	vor.u32 v1, v0;
	v32 =	vor.u32 v21, v1  }
0x287: {  	v49 =	vld [tilespmem:$0x1FF40];
	v5 =	vshll.u32 v12, $0x7;
	v46 =	vor.u32 v0, v32;
	v14 =	vor.u32 v10, v14  }
0x288: {  	v52 =	vld [tilespmem:$0x1FFA0];
	v4 =	vor.u32 v20, v4;
	v10 =	vor.u32 v10, v46;
	v14 =	vor.u32 v3, v14  }
0x289: {  	v12 =	vld [tilespmem:$0x1FFF0];
	v62 =	vor.u32 v3, v10;
	v3 =	vshll.u32 v18, $0x9;
	v10 =	vmul.u32 $0x3, v17  }
0x28a: {  	v19 =	vld.idx.msk [tilespmem:v15+s17+$0x0], $0xffff;
	v17 =	vshll.u32 v18, $0x7;
	v3 =	vand.u32 $0xFFFFF000, v3  }
0x28b: {  	[tilespmem:$0x1FC90] =	vst v47;
	v15 =	vld.idx.msk [tilespmem:v15+s20+$0x0], $0xffff;
	v17 =	vand.u32 $0x380, v17;
	v18 =	vor.u32 v3, v46;
	v47 =	vadd.s32 $0x20, v10  }
0x28c: {  	[tilespmem:$0x1FCD0] =	vst v44;
	v44 =	vld.idx.msk [tilespmem:v16+s17+$0x0], $0xffff;
	v18 =	vor.u32 v17, v18  }
0x28d: {  	v56 =	vor.u32 v36, v14;
	v51 =	vld.idx.msk [tilespmem:v4+s17+$0x0], $0xffff  }
0x28e: {  	v4 =	vld.idx.msk [tilespmem:v4+s20+$0x0], $0xffff;
	v60 =	vadd.s32 $0x21, v10  }
0x28f: {  	v3 =	vadd.s32 v1, v3;
	v43 =	vld.idx.msk [tilespmem:v62+s2+$0x0], $0xffff  }
0x290: {  	[tilespmem:$0x1FCE0] =	vst v50;
	v10 =	vadd.s32 $0x22, v10;
	v3 =	vor.u32 v17, v3;
	v50 =	vld.idx.msk [tilespmem:v47+s13+$0x0], $0xffff  }
0x291: {  	v11 =	vshll.u32 v11, $0x7;
	v63 =	vor.u32 v12, v14;
	v0 =	vor.u32 v0, v3;
	v14 =	vld.idx.msk [tilespmem:v18+s2+$0x0], $0xffff  }
0x292: {  	[tilespmem:$0x1FCB0] =	vst v26;
	v29 =	vand.u32 $0x380, v11;
	v24 =	vld.idx.msk [tilespmem:v56+s2+$0x0], $0xffff;
	v26 =	vadd.s32 v36, v0;
	v0 =	vadd.s32 v12, v0  }
0x293: {  	[tilespmem:$0x1FCC0] =	vst v23;
	v55 =	vmovc v34;
	v17 =	vshll.u32 v19, $0x9;
	v34 =	vshll.u32 v19, $0x7;
	v23 =	vshll.u32 v44, $0x9;
	v11 =	vld.idx.msk [tilespmem:v60+s13+$0x0], $0xffff  }
0x294: {  	v19 =	vshll.u32 v44, $0x7;
	v18 =	vand.u32 $0x380, v5;
	v5 =	vld [tilespmem:$0x1FF30];
	v44 =	vmul.f32 v43, v52  }
0x295: {  	v53 =	vor.u32 s30, v22;
	v54 =	vor.u32 s0, v22;
	v13 =	vshll.u32 v13, $0x7;
	v10 =	vld.idx.msk [tilespmem:v10+s13+$0x0], $0xffff  }
0x296: {  	v2 =	vor.u32 s29, v22;
	v47 =	vld [tilespmem:$0x1FF90];
	v44 =	vadd.f32 v50, v44;
	v50 =	vmul.f32 v14, v61  }
0x297: {  	v20 =	vor.u32 v54, v32;
	v21 =	vor.u32 v2, v32;
	v22 =	vor.u32 v53, v32;
	v32 =	vld.idx.msk [tilespmem:v0+s2+$0x0], $0xffff  }
0x298: {  	[tilespmem:$0x1FC70] =	vst v28;
	v7 =	vand.u32 $0x3000, v7;
	v13 =	vand.u32 $0x380, v13;
	v0 =	vadd.f32 v44, v50;
	v44 =	vld [tilespmem:$0x1FF60]  }
0x299: {  	v27 =	vor.u32 v9, v21;
	v28 =	vor.u32 v8, v22;
	v26 =	vld.idx.msk [tilespmem:v26+s2+$0x0], $0xffff;
	v60 =	vmul.f32 v43, v5  }
0x29a: {  	[tilespmem:$0x1FC20] =	vst v6;
	v6 =	vld [tilespmem:$0x1FEA0];
	v3 =	vor.u32 v7, v20;
	v15 =	vmul.u32 $0x3, v15;
	v30 =	vmul.u32 $0x3, v4  }
0x29b: {  	v4 =	vld.idx.msk [tilespmem:v63+s2+$0x0], $0xffff;
	v43 =	vmul.f32 v43, v45;
	v48 =	vmul.f32 v14, v49;
	v11 =	vadd.f32 v11, v60  }
0x29c: {  	v25 =	vshll.u32 v51, $0x9;
	v31 =	vmul.f32 v24, v37;
	v37 =	vmul.f32 v24, v39;
	v50 =	vld [tilespmem:$0x1FF70]  }
0x29d: {  	v10 =	vadd.f32 v10, v43;
	v11 =	vadd.f32 v11, v48;
	v14 =	vmul.f32 v14, v44  }
0x29e: {  	v46 =	vld [tilespmem:$0x1FF80];
	v24 =	vmul.f32 v24, v47;
	v0 =	vadd.f32 v0, v31;
	v31 =	vmul.f32 v26, v38  }
0x29f: {  	v39 =	vmul.f32 v26, v40;
	v11 =	vadd.f32 v11, v37;
	v10 =	vadd.f32 v10, v14  }
0x2a0: {  	v16 =	vld.idx.msk [tilespmem:v16+s20+$0x0], $0xffff;
	v17 =	vand.u32 $0xFFFFF000, v17;
	v0 =	vadd.f32 v0, v31;
	v14 =	vmul.f32 v4, v6  }
0x2a1: {  	v11 =	vadd.f32 v11, v39;
	v10 =	vadd.f32 v10, v24;
	v24 =	vmul.f32 v26, v50  }
0x2a2: {  	v26 =	vmul.f32 v4, v41;
	v0 =	vadd.f32 v0, v14;
	v14 =	vmul.f32 v32, v35  }
0x2a3: {  	v4 =	vmul.f32 v4, v46;
	v10 =	vadd.f32 v10, v24;
	v24 =	vor.u32 v18, v3  }
0x2a4: {  	v3 =	vadd.f32 v11, v26;
	v11 =	vmul.f32 v32, v42;
	v48 =	vadd.f32 v0, v14  }
0x2a5: {  	v16 =	vmul.u32 $0x3, v16;
	v51 =	vshll.u32 v51, $0x7;
	v14 =	vmul.f32 v32, v33  }
0x2a6: {  	v10 =	vadd.f32 v10, v4;
	v4 =	vadd.f32 v3, v11;
	v11 =	vand.u32 $0x7FFFFFFF, v48  }
0x2a7: {  	v23 =	vand.u32 $0xFFFFF000, v23;
	v25 =	vand.u32 $0xFFFFF000, v25;
	v11 =	vsub.f32 $0.0e+00, v11  }
0x2a8: {  	v3 =	vadd.f32 v10, v14;
	v14 =	vor.u32 v23, v21;
	v21 =	vand.u32 $0x7FFFFFFF, v4  }
0x2a9: {  	v20 =	vor.u32 v17, v20;
	v19 =	vand.u32 $0x380, v19;
	v21 =	vsub.f32 $0.0e+00, v21  }
0x2aa: {  	v6 =	vor.u32 v29, v27;
	[tilespmem:$0x1FD50] =	vst v24;
	v10 =	vld.idx.msk [tilespmem:v24+s2+$0x0], $0xffff;
	v27 =	vmul.f32 $1.442695020e+00, v11;
	v24 =	vand.u32 $0x7FFFFFFF, v3  }
0x2ab: {  	v17 =	vadd.s32 v1, v17;
	v24 =	vsub.f32 $0.0e+00, v24;
	v21 =	vmul.f32 $1.442695020e+00, v21  }
0x2ac: {  	v22 =	vor.u32 v25, v22;
	v60 =	vor.u32 v13, v28;
	(erf) = vpow2.f32 v27  }
0x2ad: {  	v28 =	vand.u32 $0x380, v51;
	v24 =	vmul.f32 $1.442695020e+00, v24;
	(erf) = vpow2.f32 v21  }
0x2ae: {  	v40 =	vor.u32 v1, v53;
	v43 =	vadd.s32 $0x20, v30;
	v22 =	vor.u32 v28, v22  }
0x2af: {  	v8 =	vor.u32 v8, v40;
	v14 =	vor.u32 v19, v14;
	(erf) = vpow2.f32 v24  }
0x2b0: {  	v13 =	vor.u32 v13, v8;
	v31 =	vor.u32 v1, v54;
	v21 =	vadd.s32 $0x20, v15  }
0x2b1: {  	v7 =	vor.u32 v7, v31;
	v27 =	vor.u32 v1, v2;
	v24 =	vadd.s32 $0x21, v15  }
0x2b2: {  	v8 =	vadd.s32 $0x22, v15;
	v7 =	vor.u32 v18, v7;
	v11 =	vld.idx.msk [tilespmem:v6+s2+$0x0], $0xffff;
	v9 =	vor.u32 v9, v27  }
0x2b3: {  	v51 =	vor.u32 v36, v7;
	v41 =	vadd.s32 $0x20, v16;
	v29 =	vor.u32 v29, v9;
	v9 =	vld.idx.msk [tilespmem:v22+s2+$0x0], $0xffff  }
0x2b4: {  	v26 =	vand.u32 $0x380, v34;
	v23 =	vadd.s32 v1, v23;
	v1 =	vadd.s32 v1, v25;
	v25 =	vld.idx.msk [tilespmem:v14+s2+$0x0], $0xffff  }
0x2b5: {  	v42 =	vadd.s32 $0x21, v16;
	v20 =	vor.u32 v26, v20;
	v17 =	vor.u32 v26, v17;
	v18 =	vld.idx.msk [tilespmem:v21+s13+$0x0], $0xffff;
	v22 =	vpop (erf)  }
0x2b6: {  	v27 =	vadd.s32 $0x21, v30;
	v14 =	vor.u32 v19, v23;
	v23 =	vld.idx.msk [tilespmem:v24+s13+$0x0], $0xffff;
	v24 =	vmul.f32 $1.420285930e-02, v22;
	v21 =	vpop (erf)  }
0x2b7: {  	v15 =	vadd.s32 $0x22, v16;
	v16 =	vor.u32 v28, v1;
	v26 =	vmul.f32 $1.420285930e-02, v21  }
0x2b8: {  	[tilespmem:$0x1FD60] =	vst v6;
	v0 =	vld.idx.msk [tilespmem:v60+s2+$0x0], $0xffff;
	v6 =	vor.u32 v36, v29;
	v32 =	vor.u32 v53, v16;
	v16 =	vadd.f32 $-6.658820810e-02, v24;
	v28 =	vpop (erf)  }
0x2b9: {  	v31 =	vor.u32 v2, v14;
	v14 =	vmul.f32 $1.420285930e-02, v28;
	v24 =	vadd.f32 $-6.658820810e-02, v26  }
0x2ba: {  	v38 =	vld.idx.msk [tilespmem:v8+s13+$0x0], $0xffff;
	v19 =	vadd.s32 $0x22, v30;
	v30 =	vor.u32 v54, v17;
	v16 =	vmul.f32 v16, v22  }
0x2bb: {  	v17 =	vld.idx.msk [tilespmem:v42+s13+$0x0], $0xffff;
	v54 =	vmul.f32 v11, v5;
	v14 =	vadd.f32 $-6.658820810e-02, v14;
	v24 =	vmul.f32 v24, v21  }
0x2bc: {  	v53 =	vor.u32 v12, v7;
	v7 =	vmul.f32 v10, v52;
	v39 =	vld.idx.msk [tilespmem:v15+s13+$0x0], $0xffff;
	v15 =	vadd.f32 $1.494348350e-01, v16  }
0x2bd: {  	v42 =	vmul.f32 v0, v52;
	v2 =	vld.idx.msk [tilespmem:v41+s13+$0x0], $0xffff;
	v8 =	vmul.f32 v14, v28;
	v16 =	vadd.f32 $1.494348350e-01, v24  }
0x2be: {  	v1 =	vor.u32 v36, v13;
	v41 =	vadd.f32 v18, v7;
	v7 =	vmul.f32 v15, v22  }
0x2bf: {  	v33 =	vadd.s32 v36, v31;
	v40 =	vld.idx.msk [tilespmem:v19+s13+$0x0], $0xffff;
	v19 =	vadd.f32 $1.494348350e-01, v8;
	v15 =	vmul.f32 v16, v21  }
0x2c0: {  	v35 =	vadd.s32 v36, v32;
	v24 =	vmul.f32 v11, v52;
	v7 =	vadd.f32 $-2.351488170e-01, v7  }
0x2c1: {  	v26 =	vadd.s32 v36, v30;
	v18 =	vmul.f32 v19, v28;
	v19 =	vadd.f32 $-2.351488170e-01, v15  }
0x2c2: {  	v36 =	vmul.f32 v0, v5;
	v24 =	vadd.f32 v2, v24;
	v2 =	vmul.f32 v7, v22  }
0x2c3: {  	v20 =	vld.idx.msk [tilespmem:v20+s2+$0x0], $0xffff;
	v14 =	vmul.f32 v10, v5;
	v5 =	vadd.f32 $-2.351488170e-01, v18;
	v52 =	vmul.f32 v19, v21  }
0x2c4: {  	v2 =	vadd.f32 $3.311205800e-01, v2  }
0x2c5: {  	v18 =	vld.idx.msk [tilespmem:v33+s2+$0x0], $0xffff;
	v5 =	vmul.f32 v5, v28;
	v33 =	vadd.f32 $3.311205800e-01, v52  }
0x2c6: {  	v4 =	vmax.f32 v4, $0.0e+00;
	v27 =	vld.idx.msk [tilespmem:v27+s13+$0x0], $0xffff;
	v2 =	vmul.f32 v2, v22  }
0x2c7: {  	[tilespmem:$0x1FD80] =	vst v6;
	v16 =	vld.idx.msk [tilespmem:v6+s2+$0x0], $0xffff;
	v6 =	vmul.f32 v25, v61;
	v5 =	vadd.f32 $3.311205800e-01, v5;
	v33 =	vmul.f32 v33, v21  }
0x2c8: {  	v15 =	vld.idx.msk [tilespmem:v26+s2+$0x0], $0xffff;
	v26 =	vmul.f32 v20, v61;
	v52 =	vmul.f32 v9, v61;
	v61 =	vadd.f32 $-4.998719390e-01, v2  }
0x2c9: {  	v37 =	vmul.f32 v20, v49;
	v5 =	vmul.f32 v5, v28;
	v33 =	vadd.f32 $-4.998719390e-01, v33  }
0x2ca: {  	v17 =	vadd.f32 v17, v54;
	v2 =	vor.u32 v12, v13;
	v13 =	vmul.f32 v61, v22  }
0x2cb: {  	v54 =	vor.u32 v12, v29;
	v5 =	vadd.f32 $-4.998719390e-01, v5;
	v29 =	vmul.f32 v33, v21  }
0x2cc: {  	v27 =	vadd.f32 v27, v36;
	v10 =	vmul.f32 v10, v45;
	v36 =	vadd.f32 $9.999987480e-01, v13  }
0x2cd: {  	v11 =	vmul.f32 v11, v45;
	v5 =	vmul.f32 v5, v28;
	v29 =	vadd.f32 $9.999987480e-01, v29  }
0x2ce: {  	v45 =	vmul.f32 v0, v45;
	v23 =	vadd.f32 v23, v14;
	v22 =	vmul.f32 v36, v22  }
0x2cf: {  	v0 =	vmax.f32 v48, $0.0e+00;
	v5 =	vadd.f32 $9.999987480e-01, v5;
	v21 =	vmul.f32 v29, v21  }
0x2d0: {  	v3 =	vmax.f32 v3, $0.0e+00;
	v8 =	vld.idx.msk [tilespmem:v51+s2+$0x0], $0xffff;
	v23 =	vadd.f32 v23, v37;
	v0 =	vadd.f32 v22, v0  }
0x2d1: {  	v37 =	vld [tilespmem:$0x1FEB0];
	v22 =	vadd.f32 v38, v10;
	v5 =	vmul.f32 v5, v28;
	v4 =	vadd.f32 v21, v4  }
0x2d2: {  	v10 =	vadd.s32 v12, v31;
	v31 =	vadd.f32 v39, v11;
	v0 =	vadd.f32 $9.999999970e-07, v0  }
0x2d3: {  	v39 =	vld [tilespmem:$0x1FEE0];
	v3 =	vadd.f32 v5, v3;
	v4 =	vadd.f32 $9.999999970e-07, v4  }
0x2d4: {  	v38 =	vld [tilespmem:$0x1FEC0]  }
0x2d5: {  	v19 =	vld.idx.msk [tilespmem:v35+s2+$0x0], $0xffff;
	v35 =	vmul.f32 v25, v49;
	v3 =	vadd.f32 $9.999999970e-07, v3;
	v29 =	vadd.f32 v4, v0  }
0x2d6: {  	v34 =	vld.idx.msk [tilespmem:v43+s13+$0x0], $0xffff;
	v26 =	vadd.f32 v41, v26;
	v5 =	vadd.s32 v12, v30;
	v30 =	vmul.f32 v8, v37  }
0x2d7: {  	v6 =	vadd.f32 v24, v6;
	v24 =	vmul.f32 v25, v44;
	v29 =	vadd.f32 v3, v29  }
0x2d8: {  	v25 =	vadd.f32 v17, v35;
	v26 =	vadd.f32 v26, v30;
	v30 =	vmul.f32 v16, v39  }
0x2d9: {  	s25 =	sadd.s32 $0x40, s25;
	v14 =	vld.idx.msk [tilespmem:v1+s2+$0x0], $0xffff;
	(erf) = vrcp.f32 v29;
	v29 =	vmul.f32 v15, v38  }
0x2da: {  	v25 =	vadd.f32 v25, v30;
	v30 =	vld [tilespmem:s25+$0x10]  }
0x2db: {  	v34 =	vadd.f32 v34, v42;
	v26 =	vadd.f32 v26, v29;
	v29 =	vld [tilespmem:$0x1FDF0]  }
0x2dc: {  	v43 =	vmul.f32 v9, v49;
	v28 =	vadd.s32 v12, v32;
	v32 =	vadd.f32 v40, v45;
	v40 =	vld [tilespmem:$0x1FEF0]  }
0x2dd: {  	v20 =	vmul.f32 v20, v44  }
0x2de: {  	v27 =	vadd.f32 v27, v43;
	v9 =	vmul.f32 v9, v44;
	v21 =	vadd.f32 v34, v52  }
0x2df: {  	v52 =	vmovc v59;
	v59 =	vmul.f32 v14, v37;
	v20 =	vadd.f32 v22, v20;
	v12 =	vmul.f32 v16, v37  }
0x2e0: {  	v7 =	vld.idx.msk [tilespmem:v53+s2+$0x0], $0xffff;
	v24 =	vadd.f32 v31, v24;
	v11 =	vmul.f32 v8, v39;
	vm5 =	vlt.s32 v29, v30  }
0x2e1: {  	v41 =	vld [tilespmem:$0x1FF00];
	v22 =	vmul.f32 v18, v38;
	v6 =	vadd.f32 v6, v12;
	v45 =	vmul.f32 v18, v40  }
0x2e2: {  	v21 =	vadd.f32 v21, v59;
	v61 =	vld.idx.msk [tilespmem:v10+s2+$0x0], $0xffff;
	v10 =	vmul.f32 v14, v39;
	v31 =	vmul.f32 v19, v38  }
0x2e3: {  	v13 =	vld.idx.msk [tilespmem:v54+s2+$0x0], $0xffff;
	v8 =	vmul.f32 v8, v47;
	v6 =	vadd.f32 v6, v22;
	v22 =	vadd.f32 v25, v45;
	v25 =	vpop (erf)  }
0x2e4: {  	v9 =	vadd.f32 v32, v9;
	v59 =	vld [tilespmem:$0x1FEA0];
	v14 =	vmul.f32 v14, v47;
	v0 =	vmul.f32 v25, v0  }
0x2e5: {  	v17 =	vld.idx.msk [tilespmem:v2+s2+$0x0], $0xffff;
	v16 =	vmul.f32 v16, v47;
	v23 =	vadd.f32 v23, v11;
	v44 =	vmul.f32 v15, v40  }
0x2e6: {  	v27 =	vadd.f32 v27, v10;
	[tilespmem:v62+s2+$0x0] =	vst.idx.msk vm5, v0;
	v0 =	vmul.f32 v25, v3;
	v3 =	vld [tilespmem:$0x1FC10]  }
0x2e7: {  	v48 =	vmul.f32 v19, v40;
	v18 =	vmul.f32 v18, v50;
	v21 =	vadd.f32 v21, v31  }
0x2e8: {  	v35 =	vld [tilespmem:$0x1FED0];
	v8 =	vadd.f32 v20, v8;
	v19 =	vmul.f32 v19, v50;
	v14 =	vadd.f32 v9, v14  }
0x2e9: {  	v16 =	vadd.f32 v24, v16;
	v23 =	vadd.f32 v23, v44;
	v24 =	vmul.f32 v7, v59  }
0x2ea: {  	v42 =	vld [tilespmem:$0x1FF10];
	v20 =	vadd.f32 v27, v48;
	v27 =	vmul.f32 v17, v41;
	v4 =	vmul.f32 v25, v4  }
0x2eb: {  	v28 =	vld.idx.msk [tilespmem:v28+s2+$0x0], $0xffff;
	v25 =	vmul.f32 v13, v41;
	v9 =	vadd.f32 $9.999999970e-07, v3;
	v3 =	vmul.f32 v13, v59  }
0x2ec: {  	v5 =	vld.idx.msk [tilespmem:v5+s2+$0x0], $0xffff;
	v14 =	vadd.f32 v14, v19;
	v15 =	vmul.f32 v15, v50;
	v16 =	vadd.f32 v16, v18  }
0x2ed: {  	v3 =	vadd.f32 v6, v3;
	v6 =	vadd.f32 v22, v25;
	v22 =	vmul.f32 v61, v35  }
0x2ee: {  	v8 =	vadd.f32 v8, v15;
	v15 =	vmul.f32 v7, v41;
	[tilespmem:v56+s2+$0x0] =	vst.idx.msk vm5, v4  }
0x2ef: {  	v4 =	vmul.f32 v17, v59;
	v22 =	vadd.f32 v3, v22;
	v3 =	vmul.f32 v17, v46;
	v17 =	vld [tilespmem:$0x1FF20]  }
0x2f0: {  	v20 =	vadd.f32 v20, v27;
	v18 =	vmul.f32 v28, v35;
	v7 =	vmul.f32 v7, v46  }
0x2f1: {  	v15 =	vadd.f32 v23, v15;
	v23 =	vmul.f32 v5, v42;
	[tilespmem:v63+s2+$0x0] =	vst.idx.msk vm5, v0  }
0x2f2: {  	v0 =	vadd.f32 v26, v24;
	v24 =	vmul.f32 v5, v35;
	v4 =	vadd.f32 v21, v4  }
0x2f3: {  	v15 =	vadd.f32 v15, v23;
	v21 =	vmul.f32 v61, v42;
	v13 =	vmul.f32 v13, v46  }
0x2f4: {  	v0 =	vadd.f32 v0, v24;
	v5 =	vmul.f32 v5, v17;
	v17 =	vadd.f32 v4, v18  }
0x2f5: {  	v19 =	vmul.f32 v28, v42;
	v4 =	vadd.f32 v8, v7;
	v7 =	vadd.f32 v16, v13;
	v16 =	vld [tilespmem:$0x1FF20]  }
0x2f6: {  	vm5 =	vmmov vm2;
	v31 =	vmax.f32 v0, $0.0e+00;
	v6 =	vadd.f32 v6, v21;
	v8 =	vld [tilespmem:$0x1FF20]  }
0x2f7: {  	v3 =	vadd.f32 v14, v3;
	v18 =	vadd.f32 v20, v19;
	v13 =	vand.u32 $0x7FFFFFFF, v0  }
0x2f8: {  	v19 =	vand.u32 $0x7FFFFFFF, v22;
	v20 =	vand.u32 $0x7FFFFFFF, v6;
	v0 =	vsub.f32 $0.0e+00, v13  }
0x2f9: {  	v13 =	vsub.f32 $0.0e+00, v20;
	v5 =	vadd.f32 v4, v5;
	v4 =	vand.u32 $0x7FFFFFFF, v17  }
0x2fa: {  	v21 =	vand.u32 $0x7FFFFFFF, v18;
	v4 =	vsub.f32 $0.0e+00, v4;
	v14 =	vmul.f32 v28, v16  }
0x2fb: {  	v0 =	vmul.f32 $1.442695020e+00, v0;
	v8 =	vmul.f32 v61, v8;
	v33 =	vmovc v16;
	v16 =	vand.u32 $0x7FFFFFFF, v15  }
0x2fc: {  	v13 =	vmul.f32 $1.442695020e+00, v13;
	v14 =	vadd.f32 v3, v14;
	v3 =	vsub.f32 $0.0e+00, v16  }
0x2fd: {  	v63 =	vmax.f32 v5, $0.0e+00;
	v23 =	vadd.f32 v7, v8;
	v8 =	vsub.f32 $0.0e+00, v19  }
0x2fe: {  	v24 =	vmul.f32 $1.442695020e+00, v4;
	v19 =	vsub.f32 $0.0e+00, v21;
	v21 =	vmul.f32 $1.442695020e+00, v3  }
0x2ff: {  	v11 =	vld [tilespmem:s25+$0xFFFFFFF0];
	(erf) = vpow2.f32 v0;
	v7 =	vand.u32 $0x7FFFFFFF, v5;
	v8 =	vmul.f32 $1.442695020e+00, v8  }
0x300: {  	v7 =	vsub.f32 $0.0e+00, v7;
	v16 =	vand.u32 $0x7FFFFFFF, v23;
	(erf) = vpow2.f32 v21  }
0x301: {  	v5 =	vld [tilespmem:$0x1FC40];
	v20 =	vand.u32 $0x7FFFFFFF, v14;
	v19 =	vmul.f32 $1.442695020e+00, v19;
	(erf) = vpow2.f32 v8  }
0x302: {  	v10 =	vld [tilespmem:s25+$0xFFFFFFE0];
	v3 =	vmax.f32 v15, $0.0e+00;
	v16 =	vsub.f32 $0.0e+00, v16;
	(erf) = vpow2.f32 v13  }
0x303: {  	v20 =	vsub.f32 $0.0e+00, v20;
	v15 =	vmul.f32 $1.442695020e+00, v7;
	(erf) = vpow2.f32 v24  }
0x304: {  	vm2 =	vlt.s32 v29, v11;
	v11 =	vld [tilespmem:$0x1FCA0];
	v16 =	vmul.f32 $1.442695020e+00, v16;
	(erf) = vpow2.f32 v19  }
0x305: {  	v4 =	vmax.f32 v6, $0.0e+00;
	v6 =	vmul.f32 $1.442695020e+00, v20;
	(erf) = vpow2.f32 v15  }
0x306: {  	v5 =	vadd.f32 v58, v5;
	(erf) = vpow2.f32 v16  }
0x307: {  	vm6 =	vmmov vm1;
	vm1 =	vlt.s32 v29, v10;
	v10 =	vld [tilespmem:$0x1FC70];
	(erf) = vpow2.f32 v6  }
0x308: {  	v48 =	vpop (erf);
	(erf) = vrcp.f32 v5;
	v5 =	vld [tilespmem:$0x1FCB0]  }
0x309: {  	v47 =	vmov v11;
	v11 =	vld [tilespmem:$0x1FD10]  }
0x30a: {  	v6 =	vld [tilespmem:$0x1FC90];
	_ =	sdelay $0x2  }
0x30b: {  	v12 =	vld [tilespmem:s25+$0x0]  }
0x30c: {  	v10 =	vmul.f32 v55, v10;
	v59 =	vmax.f32 v14, $0.0e+00;
	v14 =	vld [tilespmem:$0x1FC60]  }
0x30d: {  	v13 =	vld [tilespmem:$0x1FC50];
	v6 =	vmul.f32 v55, v6  }
0x30e: {  	[tilespmem:v5+s2+$0x0] =	vst.idx.msk vm4, v10;
	v5 =	vld [tilespmem:$0x1FCC0]  }
0x30f: {  	[tilespmem:v11+s2+$0x0] =	vst.idx.msk vm4, v6;
	v6 =	vld [tilespmem:$0x1FCD0]  }
0x310: {  	v11 =	vld [tilespmem:$0x1FD40]  }
0x311: {  	v15 =	vld [tilespmem:$0x1FC80]  }
0x312: {  	v13 =	vadd.f32 v52, v13  }
0x313: {  	v49 =	vmov v58;
	v50 =	vmov v1  }
0x314: {  	vm7 =	vlt.s32 v29, v12;
	v5 =	vmul.f32 v55, v5;
	v55 =	vpop (erf);
	(erf) = vrcp.f32 v13;
	v13 =	vld [tilespmem:$0x1FCE0]  }
0x315: {  	v30 =	vmovc v57;
	v0 =	vmax.f32 v22, $0.0e+00;
	v14 =	vadd.f32 v9, v14;
	v26 =	vmovc v6;
	v6 =	vmul.f32 $1.420285930e-02, v55  }
0x316: {  	v62 =	vmax.f32 v23, $0.0e+00;
	v28 =	vmov v15;
	v15 =	vmul.f32 $1.420285930e-02, v48;
	v57 =	vpop (erf)  }
0x317: {  	v7 =	vmax.f32 v17, $0.0e+00;
	v8 =	vmax.f32 v18, $0.0e+00;
	v10 =	vpop (erf);
	v6 =	vadd.f32 $-6.658820810e-02, v6  }
0x318: {  	(erf) = vrcp.f32 v14;
	v16 =	vmul.f32 $1.420285930e-02, v57;
	[tilespmem:v11+s2+$0x0] =	vst.idx.msk vm4, v5;
	v5 =	vadd.f32 $-6.658820810e-02, v15;
	v11 =	vpop (erf)  }
0x319: {  	v14 =	vmov v13;
	v13 =	vmul.f32 $1.420285930e-02, v10;
	v58 =	vpop (erf);
	v6 =	vmul.f32 v6, v55  }
0x31a: {  	[tilespmem:$0x1FD10] =	vst v14;
	v1 =	vmul.f32 v5, v48;
	v5 =	vadd.f32 $-6.658820810e-02, v16;
	v14 =	vmul.f32 $1.420285930e-02, v11;
	v12 =	vpop (erf)  }
0x31b: {  	v44 =	vmovc v60;
	v15 =	vmul.f32 $1.420285930e-02, v58;
	v19 =	vadd.f32 $-6.658820810e-02, v13;
	v16 =	vmul.f32 $1.420285930e-02, v12  }
0x31c: {  	v60 =	vpop (erf);
	v6 =	vadd.f32 $1.494348350e-01, v6;
	v5 =	vmul.f32 v5, v57;
	v14 =	vadd.f32 $-6.658820810e-02, v14  }
0x31d: {  	v18 =	vmul.f32 $1.420285930e-02, v60;
	v15 =	vadd.f32 $-6.658820810e-02, v15;
	v20 =	vadd.f32 $1.494348350e-01, v1  }
0x31e: {  	v24 =	vld [tilespmem:$0x1FDC0];
	v17 =	vmul.f32 v19, v10;
	v13 =	vpop (erf);
	v16 =	vadd.f32 $-6.658820810e-02, v16;
	v6 =	vmul.f32 v6, v55  }
0x31f: {  	v14 =	vmul.f32 v14, v11;
	v19 =	vmul.f32 $1.420285930e-02, v13;
	v18 =	vadd.f32 $-6.658820810e-02, v18  }
0x320: {  	v23 =	vmovc v9;
	v15 =	vmul.f32 v15, v58;
	v5 =	vadd.f32 $1.494348350e-01, v5;
	v9 =	vmul.f32 v20, v48  }
0x321: {  	v20 =	vlaneseq.u32;
	v16 =	vmul.f32 v16, v12;
	v17 =	vadd.f32 $1.494348350e-01, v17  }
0x322: {  	v6 =	vadd.f32 $-2.351488170e-01, v6;
	v19 =	vadd.f32 $-6.658820810e-02, v19;
	v18 =	vmul.f32 v18, v60  }
0x323: {  	v61 =	vmovc v24;
	v24 =	vmovc v2;
	v2 =	vadd.f32 $1.494348350e-01, v14;
	v14 =	vadd.f32 $1.494348350e-01, v15;
	v5 =	vmul.f32 v5, v57  }
0x324: {  	v9 =	vadd.f32 $-2.351488170e-01, v9;
	v16 =	vadd.f32 $1.494348350e-01, v16;
	v17 =	vmul.f32 v17, v10  }
0x325: {  	v6 =	vmul.f32 v6, v55;
	v15 =	vmul.f32 v19, v13;
	v18 =	vadd.f32 $1.494348350e-01, v18  }
0x326: {  	v2 =	vmul.f32 v2, v11;
	v14 =	vmul.f32 v14, v58;
	v5 =	vadd.f32 $-2.351488170e-01, v5  }
0x327: {  	v9 =	vmul.f32 v9, v48;
	v16 =	vmul.f32 v16, v12;
	v17 =	vadd.f32 $-2.351488170e-01, v17  }
0x328: {  	v6 =	vadd.f32 $3.311205800e-01, v6;
	v15 =	vadd.f32 $1.494348350e-01, v15;
	v18 =	vmul.f32 v18, v60  }
0x329: {  	v2 =	vadd.f32 $-2.351488170e-01, v2;
	v14 =	vadd.f32 $-2.351488170e-01, v14;
	v5 =	vmul.f32 v5, v57  }
0x32a: {  	v9 =	vadd.f32 $3.311205800e-01, v9;
	v16 =	vadd.f32 $-2.351488170e-01, v16;
	v17 =	vmul.f32 v17, v10  }
0x32b: {  	v6 =	vmul.f32 v6, v55;
	v15 =	vmul.f32 v15, v13;
	v18 =	vadd.f32 $-2.351488170e-01, v18  }
0x32c: {  	v2 =	vmul.f32 v2, v11;
	v14 =	vmul.f32 v14, v58;
	v5 =	vadd.f32 $3.311205800e-01, v5  }
0x32d: {  	v9 =	vmul.f32 v9, v48;
	v16 =	vmul.f32 v16, v12;
	v17 =	vadd.f32 $3.311205800e-01, v17  }
0x32e: {  	v6 =	vadd.f32 $-4.998719390e-01, v6;
	v15 =	vadd.f32 $-2.351488170e-01, v15;
	v18 =	vmul.f32 v18, v60  }
0x32f: {  	v2 =	vadd.f32 $3.311205800e-01, v2;
	v14 =	vadd.f32 $3.311205800e-01, v14;
	v5 =	vmul.f32 v5, v57  }
0x330: {  	v9 =	vadd.f32 $-4.998719390e-01, v9;
	v16 =	vadd.f32 $3.311205800e-01, v16;
	v17 =	vmul.f32 v17, v10  }
0x331: {  	v6 =	vmul.f32 v6, v55;
	v15 =	vmul.f32 v15, v13;
	v18 =	vadd.f32 $3.311205800e-01, v18  }
0x332: {  	v2 =	vmul.f32 v2, v11;
	v14 =	vmul.f32 v14, v58;
	v5 =	vadd.f32 $-4.998719390e-01, v5  }
0x333: {  	v9 =	vmul.f32 v9, v48;
	v16 =	vmul.f32 v16, v12;
	v17 =	vadd.f32 $-4.998719390e-01, v17  }
0x334: {  	v6 =	vadd.f32 $9.999987480e-01, v6;
	v15 =	vadd.f32 $3.311205800e-01, v15;
	v18 =	vmul.f32 v18, v60  }
0x335: {  	v2 =	vadd.f32 $-4.998719390e-01, v2;
	v14 =	vadd.f32 $-4.998719390e-01, v14;
	v5 =	vmul.f32 v5, v57  }
0x336: {  	v9 =	vadd.f32 $9.999987480e-01, v9;
	v16 =	vadd.f32 $-4.998719390e-01, v16;
	v17 =	vmul.f32 v17, v10  }
0x337: {  	v6 =	vmul.f32 v6, v55;
	v15 =	vmul.f32 v15, v13;
	v18 =	vadd.f32 $-4.998719390e-01, v18  }
0x338: {  	v2 =	vmul.f32 v2, v11;
	v14 =	vmul.f32 v14, v58;
	v5 =	vadd.f32 $9.999987480e-01, v5  }
0x339: {  	v43 =	vld [tilespmem:$0x1FBF0];
	v9 =	vmul.f32 v9, v48;
	v16 =	vmul.f32 v16, v12;
	v17 =	vadd.f32 $9.999987480e-01, v17  }
0x33a: {  	v36 =	vld [tilespmem:$0x1FFC0];
	v6 =	vadd.f32 v6, v3;
	v2 =	vadd.f32 $9.999987480e-01, v2;
	v5 =	vmul.f32 v5, v57  }
0x33b: {  	v32 =	vld [tilespmem:$0x1FC00];
	v15 =	vadd.f32 $-4.998719390e-01, v15;
	v18 =	vmul.f32 v18, v60;
	v14 =	vadd.f32 $9.999987480e-01, v14  }
0x33c: {  	p1 =	slt.u32 s26, $0x1C;
	v9 =	vadd.f32 v9, v31;
	v2 =	vmul.f32 v2, v11;
	v11 =	vadd.f32 v5, v0;
	v5 =	vld [tilespmem:$0x1FCF0]  }
.Ltmp11:
0x33d: {  	v27 =	vld [tilespmem:$0x1FC30];
	v16 =	vadd.f32 $9.999987480e-01, v16;
	v17 =	vmul.f32 v17, v10;
	v15 =	vmul.f32 v15, v13;
	(pc) =	sbr.rel @p1 .LBB2_15-.Ltmp11, $4  }
0x33e: {  	v29 =	vld [tilespmem:$0x1FD70];
	v18 =	vadd.f32 $9.999987480e-01, v18;
	v14 =	vmul.f32 v14, v58;
	v0 =	vadd.f32 $9.999999970e-07, v6  }
0x33f: {  	v25 =	vld [tilespmem:$0x1FC20];
	v56 =	vpop (erf);
	v10 =	vmul.f32 v16, v12;
	v4 =	vadd.f32 v17, v4;
	v15 =	vadd.f32 $9.999987480e-01, v15  }
0x340: {  	v22 =	vld [tilespmem:$0x1FFE0];
	[tilespmem:$0x1FDC0] =	vst v24;
	v1 =	vpop (erf);
	v3 =	vmul.f32 v18, v60;
	v12 =	vadd.f32 v2, v7;
	v7 =	vadd.f32 v14, v8  }
0x341: {  	s28 =	sadd.s32 $0x800, s28;
	v21 =	vld [tilespmem:$0x1FFD0];
	[tilespmem:$0x1FD40] =	vst v61;
	v34 =	vpop (erf);
	v2 =	vmul.f32 v15, v13;
	v15 =	vadd.f32 $9.999999970e-07, v9;
	v8 =	vmul.f32 v56, v5  }
0x342: {  	_ =	sdelay $0x4  }
0x343: {  	[tilespmem:v27+s2+$0x0] =	vst.idx.msk vm6, v8  }
0x344: {  	v13 =	vld [tilespmem:$0x1FD00];
	_ =	sdelay $0x5  }
0x345: {  	v35 =	vmul.f32 v56, v43;
	_ =	sdelay $0x1  }
0x346: {  	[tilespmem:v13+s2+$0x0] =	vst.idx.msk vm6, v35  }
0x347: {  	v13 =	vld [tilespmem:$0x1FD20];
	_ =	sdelay $0x2  }
0x348: {  	v5 =	vadd.f32 v10, v63  }
0x349: {  	v38 =	vmul.f32 v1, v30  }
0x34a: {  	v9 =	vadd.f32 v0, v15;
	v40 =	vmul.f32 v1, v29;
	v5 =	vadd.f32 $9.999999970e-07, v5  }
0x34b: {  	v37 =	vmul.f32 v56, v49;
	[tilespmem:v25+s2+$0x0] =	vst.idx.msk vm5, v38  }
0x34c: {  	v9 =	vadd.f32 v5, v9;
	[tilespmem:v32+s2+$0x0] =	vst.idx.msk vm5, v40  }
0x34d: {  	[tilespmem:v13+s2+$0x0] =	vst.idx.msk vm6, v37  }
0x34e: {  	(erf) = vrcp.f32 v9;
	v9 =	vld [tilespmem:$0x1FD30]  }
0x34f: {  	vm3 =	vmmov vm3;
	_ =	sdelay $0x3  }
0x350: {  	v42 =	vmul.f32 v34, v28  }
0x351: {  	v41 =	vmul.f32 v1, v52  }
0x352: {  	[tilespmem:v26+s2+$0x0] =	vst.idx.msk vm3, v42  }
0x353: {  	[tilespmem:v9+s2+$0x0] =	vst.idx.msk vm5, v41  }
0x354: {  	v43 =	vmul.f32 v34, v47;
	v47 =	vld [tilespmem:$0x1FD10];
	_ =	sdelay $0x3  }
0x355: {  	v6 =	vadd.f32 $9.999999970e-07, v11  }
0x356: {  	v4 =	vadd.f32 $9.999999970e-07, v4;
	v3 =	vadd.f32 v3, v62;
	_ =	sdelay $0x1  }
0x357: {  	v11 =	vadd.f32 v4, v6;
	v3 =	vadd.f32 $9.999999970e-07, v3  }
0x358: {  	[tilespmem:v47+s2+$0x0] =	vst.idx.msk vm3, v43  }
0x359: {  	v33 =	vadd.f32 v3, v11;
	v11 =	vld [tilespmem:$0x1FD40];
	_ =	sdelay $0x5  }
0x35a: {  	v45 =	vmul.f32 v34, v23;
	_ =	sdelay $0x1  }
0x35b: {  	[tilespmem:v11+s2+$0x0] =	vst.idx.msk vm3, v45  }
0x35c: {  	v11 =	vld [tilespmem:$0x1FD50];
	_ =	sdelay $0x1  }
0x35d: {  	vm1 =	vmmov vm1;
	_ =	sdelay $0x2  }
0x35e: {  	v46 =	vpop (erf)  }
0x35f: {  	v48 =	vmul.f32 v46, v15  }
0x360: {  	v31 =	vadd.f32 $9.999999970e-07, v12;
	(erf) = vrcp.f32 v33;
	v49 =	vmul.f32 v46, v0  }
0x361: {  	v7 =	vadd.f32 $9.999999970e-07, v7;
	v2 =	vadd.f32 v2, v59;
	v55 =	vmul.f32 v46, v5;
	[tilespmem:v11+s2+$0x0] =	vst.idx.msk vm1, v48  }
0x362: {  	[tilespmem:v51+s2+$0x0] =	vst.idx.msk vm1, v49  }
0x363: {  	v12 =	vadd.f32 v7, v31;
	v2 =	vadd.f32 $9.999999970e-07, v2;
	[tilespmem:v53+s2+$0x0] =	vst.idx.msk vm1, v55  }
0x364: {  	v59 =	vld [tilespmem:$0x1FD60]  }
0x365: {  	v39 =	vadd.f32 v2, v12  }
0x366: {  	vm2 =	vmmov vm2  }
0x367: {  	(erf) = vrcp.f32 v39;
	_ =	sdelay $0x1  }
0x368: {  	v52 =	vpop (erf)  }
0x369: {  	v56 =	vmul.f32 v52, v6;
	_ =	sdelay $0x1  }
0x36a: {  	[tilespmem:v59+s2+$0x0] =	vst.idx.msk vm2, v56  }
0x36b: {  	vm4 =	vmmov vm7;
	v57 =	vmul.f32 v52, v4;
	v4 =	vld [tilespmem:$0x1FD80];
	_ =	sdelay $0x2  }
0x36c: {  	v58 =	vpop (erf)  }
0x36d: {  	v60 =	vmul.f32 v58, v31  }
0x36e: {  	v61 =	vmul.f32 v58, v7  }
0x36f: {  	[tilespmem:v44+s2+$0x0] =	vst.idx.msk vm4, v60  }
0x370: {  	v3 =	vmul.f32 v52, v3;
	[tilespmem:v50+s2+$0x0] =	vst.idx.msk vm4, v61  }
0x371: {  	[tilespmem:v4+s2+$0x0] =	vst.idx.msk vm2, v57  }
0x372: {  	[tilespmem:v54+s2+$0x0] =	vst.idx.msk vm2, v3  }
0x373: {  	v63 =	vld [tilespmem:$0x1FDC0];
	_ =	sdelay $0x5  }
0x374: {  	v62 =	vmul.f32 v58, v2;
	_ =	sdelay $0x1  }
0x375: {  	[tilespmem:v63+s2+$0x0] =	vst.idx.msk vm4, v62  }
0x376: {  	v59 =	vld [tilespmem:$0x1FFF0]  }
0x377: {  	v58 =	vld [tilespmem:$0x1FFA0]  }
0x378: {  	v23 =	vld [tilespmem:$0x1FFB0]  }
0x379: {  	s23 =	sadd.s32 $0x1, s23;
	v44 =	vld [tilespmem:$0x1FF30]  }
0x37a: {  	p1 =	sne.s32 s23, s9;
	v45 =	vld [tilespmem:$0x1FF40]  }
.Ltmp12:
0x37b: {  	v46 =	vld [tilespmem:$0x1FF50];
	(pc) =	sbr.rel @p1 .LBB2_14-.Ltmp12, $4  }
.Ltmp13:
0x37c: {  	v47 =	vld [tilespmem:$0x1FF60];
	(pc) =	sbr.rel @!p1 .LBB2_17-.Ltmp13, $4  }
0x37d: {  	v61 =	vld [tilespmem:$0x1FF90]  }
0x37e: {  	v60 =	vld [tilespmem:$0x1FF70]  }
0x37f: {  	s21 =	sadd.s32 $0xFFFFFFF0, s21;
	vm3 =	vmmov vm4;
	v50 =	vld [tilespmem:$0x1FF80]  }
0x380: {  	_ = 	snop  }
.LBB2_18:
0x381: {  	_ =	sfence.sel $0x180000  }
0x382: {  	[bflag:$0x0] =	sbarrier.arrive $0xFFFF  }
0x383: {  	_ =	strace $0x90000047  }
0x384: {  	s0 =	stileid.u32;
	[bflag:$0x2] =	sbarrier.arrive $0xFFFF  }
0x385: {  	p0 =	sne.s32 s0, $0x0;
	s0 =	rddreg [dreg:$0x5]  }
0x386: {  	s0 =	sadd.s32 @!p0 $0x100000, s0  }
0x387: {  	[sflag:s0] =	ssyncadd.tile.s32 @!p0 $0x1;
	_ =	shalt  }
.Lfunc_end2:
_tile_overlayer_lowered:
.L_overlay_start_2:
0x388: {  	(tag) =	ssettag $0x2  }
0x389: {  	s0 =	rddreg [dreg:$0x0];
	s2 =	stileid.u32  }
0x38a: {  	s1 =	rddreg [dreg:$0x1];
	p0 =	sne.s32 s2, $0x0  }
0x38b: {  	s3 =	rddreg [dreg:$0x2];
	[bflag:$0x3] =	sbarrier.arrive $0xFFFF;
	s2 =	simm.s32 @!p0 $0x1C04  }
0x38c: {  	[timem:s3], [sflag:s2] =	dma.local @!p0 [hbm:s0], s1  }
0x38d: {  	s0 =	simm.s32 @!p0 $0x4  }
0x38e: {  	_ =	swait.ge @!p0 [sflag:s0], s1  }
0x38f: {  	s1 =	ssub.s32 @!p0 $0x0, s1;
	[sflag:s0] =	ssyncset.done @!p0 $0x0  }
0x390: {  	[sflag:s0] =	ssyncadd.s32 @!p0 s1  }
0x391: {  	[bflag:$0x3] =	sbarrier.arrive $0xFFFF  }
0x392: {  	_ =	shalt  }

</sc_bundles>
